<compile_context>
chip_gen: v7x
topology: tpu7x:2x2x1
jax: 0.10.2.dev20260603
libtpu: 0.0.44.dev20260713+nightly
codegen_flags: <defaults>
</compile_context>

<pallas_src>
import functools
import jax
import jax.numpy as jnp
from jax import lax
from jax.experimental import pallas as pl
from jax.experimental.pallas import tpu as pltpu
from jax.experimental.pallas import tpu_sc as plsc

_N = 10000
_NP = 10016
_D = 256
_HALF = 128
_CH = 128
_K = 4
_TILES = 16
_ROWS_PER_TILE = _NP // _TILES
_DW = 16


def _sc_segment_sum(xr2, srcs2, dsts, zrows, zdeg, onesrow, nchunks):
    mesh = plsc.VectorSubcoreMesh(core_axis_name="c", subcore_axis_name="s")
    nsup = nchunks // _K

    @functools.partial(
        pl.kernel,
        out_type=(jax.ShapeDtypeStruct((2, _NP, _HALF), jnp.float32),
                  jax.ShapeDtypeStruct((_NP, _DW), jnp.float32)),
        mesh=mesh,
        compiler_params=pltpu.CompilerParams(use_tc_tiling_on_sc=False),
        scratch_types=[
            pltpu.VMEM((2, _K, _CH), jnp.int32),
            pltpu.VMEM((2, _K, _CH), jnp.int32),
            pltpu.VMEM((_CH, _HALF), jnp.float32),
            pltpu.VMEM((_CH, _HALF), jnp.float32),
            pltpu.VMEM((_CH, _DW), jnp.float32),
            pltpu.SemaphoreType.DMA,
            pltpu.SemaphoreType.DMA,
            pltpu.VMEM_SHARED((_NP, _HALF), jnp.float32),
            pltpu.VMEM_SHARED((_NP, _DW), jnp.float32),
        ],
    )
    def k(xr2_hbm, src_hbm, dst_hbm, z_hbm, zd_hbm, ones_hbm,
          agg_out, deg_out,
          src_sup, dst_sup, rows0, rows1, ones_v, sem0, sem1,
          agg_sh, deg_sh):
        cid = lax.axis_index("c")
        sid = lax.axis_index("s")
        row0 = sid * _ROWS_PER_TILE
        rows_v = (rows0, rows1)
        sems = (sem0, sem1)
        crow0 = sid * nchunks

        def load_sup(s, sb):
            pltpu.sync_copy(src_hbm.at[cid, pl.ds(crow0 + s * _K, _K)],
                            src_sup.at[sb])
            pltpu.sync_copy(dst_hbm.at[pl.ds(crow0 + s * _K, _K)],
                            dst_sup.at[sb])

        def fire(sb, j, b):
            pltpu.async_copy(xr2_hbm.at[src_sup.at[sb, j]],
                             rows_v[b], sems[b])

        def wait(sb, j, b):
            pltpu.make_async_copy(xr2_hbm.at[src_sup.at[sb, j]],
                                  rows_v[b], sems[b]).wait()

        pltpu.sync_copy(ones_hbm, ones_v)
        pltpu.sync_copy(z_hbm, agg_sh.at[pl.ds(row0, _ROWS_PER_TILE)])

        @pl.when(cid == 0)
        def _():
            pltpu.sync_copy(zd_hbm, deg_sh.at[pl.ds(row0, _ROWS_PER_TILE)])

        plsc.subcore_barrier()

        load_sup(0, 0)
        fire(0, 0, 0)

        def body(i, carry):
            for sp in range(2):
                s = 2 * i + sp
                sb = sp
                load_sup(s + 1, 1 - sb)
                for j in range(_K):
                    b = j % 2
                    jn, sbn = (j + 1, sb) if j + 1 < _K else (0, 1 - sb)
                    fire(sbn, jn, 1 - b)
                    wait(sb, j, b)
                    pltpu.sync_copy(rows_v[b],
                                    agg_sh.at[dst_sup.at[sb, j]], add=True)

                    @pl.when(cid == 0)
                    def _():
                        pltpu.sync_copy(ones_v,
                                        deg_sh.at[dst_sup.at[sb, j]],
                                        add=True)
            return carry

        lax.fori_loop(0, nsup // 2, body, 0)
        wait(0, 0, 0)

        plsc.subcore_barrier()
        pltpu.sync_copy(agg_sh.at[pl.ds(row0, _ROWS_PER_TILE)],
                        agg_out.at[cid, pl.ds(row0, _ROWS_PER_TILE)])

        @pl.when(cid == 0)
        def _():
            pltpu.sync_copy(deg_sh.at[pl.ds(row0, _ROWS_PER_TILE)],
                            deg_out.at[pl.ds(row0, _ROWS_PER_TILE)])

    return k(xr2, srcs2, dsts, zrows, zdeg, onesrow)


def _tc_xwr_body(x, wr, bl, o):
    o[...] = jnp.dot(x[...], wr[...],
                     preferred_element_type=jnp.float32) + bl[...]


def _tc_xwr(x, W_r, b_l):
    n = x.shape[0]
    B = 512
    return pl.pallas_call(
        _tc_xwr_body,
        grid=(pl.cdiv(n, B),),
        in_specs=[
            pl.BlockSpec((B, _D), lambda i: (i, 0)),
            pl.BlockSpec(W_r.shape, lambda i: (0, 0)),
            pl.BlockSpec(b_l.shape, lambda i: (0, 0)),
        ],
        out_specs=pl.BlockSpec((B, 512), lambda i: (i, 0)),
        out_shape=jax.ShapeDtypeStruct((n, 512), jnp.float32),
    )(x, W_r, b_l)


def _tc_body(a0, a1, dg, xwr, wl, wd1, bd1, wd2, bd2, o):
    deg = jnp.clip(dg[:, :1], 1.0, None)
    agg = jnp.concatenate([a0[...], a1[...]], axis=1) / deg
    h = jnp.dot(agg, wl[...], preferred_element_type=jnp.float32)
    h += xwr[...]
    h = jnp.maximum(h, 0.0)
    hd = jnp.dot(h, wd1[...], preferred_element_type=jnp.float32)
    hd = jnp.maximum(hd + bd1[...], 0.0)
    out = jnp.dot(hd, wd2[...], preferred_element_type=jnp.float32)
    o[...] = out + bd2[...]


def _tc_dense(a0, a1, dg, xwr, W_l, W_d1, b_d1, W_d2, b_d2):
    n = xwr.shape[0]
    B = 1024
    grid = (pl.cdiv(n, B),)

    def row_blk(cols):
        return pl.BlockSpec((B, cols), lambda i: (i, 0))

    def full(shape):
        return pl.BlockSpec(shape, lambda i: tuple(0 for _ in shape))

    return pl.pallas_call(
        _tc_body,
        grid=grid,
        in_specs=[
            row_blk(_HALF), row_blk(_HALF), row_blk(_DW), row_blk(512),
            full(W_l.shape),
            full(W_d1.shape), full(b_d1.shape),
            full(W_d2.shape), full(b_d2.shape),
        ],
        out_specs=row_blk(_D),
        out_shape=jax.ShapeDtypeStruct((n, _D), jnp.float32),
    )(a0, a1, dg, xwr, W_l, W_d1, b_d1, W_d2, b_d2)


def kernel(x, edge_index, W_l, b_l, W_r, W_d1, b_d1, W_d2, b_d2):
    n = x.shape[0]
    e = edge_index.shape[1]
    f32 = jnp.float32

    src = edge_index[0].astype(jnp.int32)
    dst = edge_index[1].astype(jnp.int32)

    xr2 = x.reshape(2 * n, _HALF)

    step = _TILES * _CH
    kk = 2 * _K
    nchunks = ((e + step - 1) // step + kk - 1) // kk * kk
    ep = nchunks * step
    nr = ep // _CH + _K
    srcp = jnp.concatenate(
        [src, jnp.zeros((nr * _CH - e,), jnp.int32)]).reshape(nr, _CH)
    dstp = jnp.concatenate(
        [dst, jnp.full((nr * _CH - e,), n, jnp.int32)]).reshape(nr, _CH)
    src2 = 2 * srcp
    srcs2 = jnp.stack([src2, src2 + 1])
    zrows = jnp.zeros((_ROWS_PER_TILE, _HALF), f32)
    zdeg = jnp.zeros((_ROWS_PER_TILE, _DW), f32)
    onesrow = jnp.ones((_CH, _DW), f32)

    xwr = _tc_xwr(x, W_r, b_l.reshape(1, -1))

    agg2, deg = _sc_segment_sum(xr2, srcs2, dstp, zrows, zdeg, onesrow,
                                nchunks)

    b_d12 = b_d1.reshape(1, -1)
    b_d22 = b_d2.reshape(1, -1)
    return _tc_dense(agg2[0], agg2[1], deg, xwr, W_l,
                     W_d1, b_d12, W_d2, b_d22)

# --- scband reference (transcript-rebuilt; emitter-appended) ---
"""Pipeline reference for scband-neighbor-generator-37984690765904 (READ-ONLY COPY).

The authoritative reference and input builder live on the scoring server;
editing this copy changes nothing except your own understanding.
"""

import jax, jax.numpy as jnp
import numpy as np

N = 10000
E = 160000
D_IN = 256
D_HID = 512
D_OUT = 256

def setup_inputs(seed: int = 0) -> dict:
    key = jax.random.key(seed)
    ks = jax.random.split(key, 12)
    x = jax.random.normal(ks[0], (N, D_IN), dtype=jnp.float32)
    edge_index = jax.random.randint(ks[1], (2, E), 0, N, dtype=jnp.int64)
    s_in = 1.0 / np.sqrt(D_IN)
    s_hid = 1.0 / np.sqrt(D_HID)
    # SAGEConv(input_dim, hidden_dim): lin_l (aggregated neighbors, with bias), lin_r (root, no bias)
    W_l = jax.random.uniform(ks[2], (D_IN, D_HID), dtype=jnp.float32, minval=-s_in, maxval=s_in)
    b_l = jax.random.uniform(ks[3], (D_HID,), dtype=jnp.float32, minval=-s_in, maxval=s_in)
    W_r = jax.random.uniform(ks[4], (D_IN, D_HID), dtype=jnp.float32, minval=-s_in, maxval=s_in)
    # decoder: Linear(hidden, hidden) -> ReLU -> Linear(hidden, output)
    W_d1 = jax.random.uniform(ks[5], (D_HID, D_HID), dtype=jnp.float32, minval=-s_hid, maxval=s_hid)
    b_d1 = jax.random.uniform(ks[6], (D_HID,), dtype=jnp.float32, minval=-s_hid, maxval=s_hid)
    W_d2 = jax.random.uniform(ks[7], (D_HID, D_OUT), dtype=jnp.float32, minval=-s_hid, maxval=s_hid)
    b_d2 = jax.random.uniform(ks[8], (D_OUT,), dtype=jnp.float32, minval=-s_hid, maxval=s_hid)
    return {"x": x, "edge_index": edge_index, "W_l": W_l, "b_l": b_l, "W_r": W_r,
            "W_d1": W_d1, "b_d1": b_d1, "W_d2": W_d2, "b_d2": b_d2}

def reference(x, edge_index, W_l, b_l, W_r, W_d1, b_d1, W_d2, b_d2):
    n = x.shape[0]
    src = edge_index[0]
    dst = edge_index[1]
    # SAGEConv with mean aggregation: out = lin_l(mean_j x_j) + lin_r(x_i)
    msgs = jnp.take(x, src, axis=0)
    agg = jax.ops.segment_sum(msgs, dst, num_segments=n)
    deg = jax.ops.segment_sum(jnp.ones((src.shape[0],), dtype=x.dtype), dst, num_segments=n)
    agg = agg / jnp.clip(deg, 1.0, None)[:, None]
    h = agg @ W_l + b_l + x @ W_r
    h = jax.nn.relu(h)
    # dropout p=0.5 is a no-op in eval mode
    # decoder MLP
    hd = jax.nn.relu(h @ W_d1 + b_d1)
    out = hd @ W_d2 + b_d2
    return out

if __name__ == "__main__":
    import jax
    _d = setup_inputs()
    print(jax.jit(kernel)(*tuple(_d.values())))

</pallas_src>

<mosaic_0001>
#map = affine_map<(d0, d1) -> (0, 0)>
#map1 = affine_map<(d0, d1) -> (0, 0, 0)>
module attributes {stable_mosaic.version = 14 : i64} {
  func.func @k(%arg0: i32, %arg1: i32, %arg2: memref<20000x128xf32, #tpu.memory_space<hbm>>, %arg3: memref<2x1284x128xi32, #tpu.memory_space<hbm>>, %arg4: memref<1284x128xi32, #tpu.memory_space<hbm>>, %arg5: memref<626x128xf32, #tpu.memory_space<hbm>>, %arg6: memref<626x16xf32, #tpu.memory_space<hbm>>, %arg7: memref<128x16xf32, #tpu.memory_space<hbm>>, %arg8: memref<2x10016x128xf32, #tpu.memory_space<hbm>>, %arg9: memref<10016x16xf32, #tpu.memory_space<hbm>>, %arg10: memref<2x4x128xi32, #tpu.memory_space<vmem>>, %arg11: memref<2x4x128xi32, #tpu.memory_space<vmem>>, %arg12: memref<128x128xf32, #tpu.memory_space<vmem>>, %arg13: memref<128x128xf32, #tpu.memory_space<vmem>>, %arg14: memref<128x16xf32, #tpu.memory_space<vmem>>, %arg15: memref<!tpu.dma_semaphore, #tpu.memory_space<semaphore_mem>>, %arg16: memref<!tpu.dma_semaphore, #tpu.memory_space<semaphore_mem>>, %arg17: memref<10016x128xf32, #tpu.memory_space<vmem_shared>>, %arg18: memref<10016x16xf32, #tpu.memory_space<vmem_shared>>) attributes {dimension_semantics = [#tpu.dimension_semantics<core_parallel>, #tpu.dimension_semantics<subcore_parallel>], iteration_bounds = array<i64: 2, 16>, scalar_prefetch = 0 : i64, scratch_operands = 9 : i64, tpu.core_type = #tpu.core_type<sc_vector_subcore>, window_params = [{transform_indices = #map}, {transform_indices = #map1}, {transform_indices = #map}, {transform_indices = #map}, {transform_indices = #map}, {transform_indices = #map}, {transform_indices = #map1}, {transform_indices = #map}]} {
    %mul3A = arith.constant 626 : i32
    %mul3A_0 = arith.muli %arg1, %mul3A : i32
    %mul3A_1 = arith.constant 80 : i32
    %mul3A_2 = arith.muli %arg1, %mul3A_1 : i32
    "tpu.region"() ({
      %run_scoped3A_34 = tpu.sem_alloc : memref<!tpu.dma_semaphore, #tpu.memory_space<semaphore_mem>>
      tpu.enqueue_dma source(%arg7 : memref<128x16xf32, #tpu.memory_space<hbm>>) target(%arg14 : memref<128x16xf32, #tpu.memory_space<vmem>>) target_semaphore(%run_scoped3A_34 : memref<!tpu.dma_semaphore, #tpu.memory_space<semaphore_mem>>)
      tpu.wait_dma2 semaphore(%run_scoped3A_34 : memref<!tpu.dma_semaphore, #tpu.memory_space<semaphore_mem>>) src(%arg7 : memref<128x16xf32, #tpu.memory_space<hbm>>) dst(%arg14 : memref<128x16xf32, #tpu.memory_space<vmem>>)
      tpu.yield
    }) : () -> ()
    "tpu.region"() ({
      %run_scoped3A_34 = tpu.sem_alloc : memref<!tpu.dma_semaphore, #tpu.memory_space<semaphore_mem>>
      %dma_start3A_35 = arith.constant 0 : i32
      %dma_start3A_36 = tpu.memref_slice %arg17[%mul3A_0, %dma_start3A_35] : memref<10016x128xf32, #tpu.memory_space<vmem_shared>> -> memref<626x128xf32, #tpu.memory_space<vmem_shared>>
      tpu.enqueue_dma source(%arg5 : memref<626x128xf32, #tpu.memory_space<hbm>>) target(%dma_start3A_36 : memref<626x128xf32, #tpu.memory_space<vmem_shared>>) target_semaphore(%run_scoped3A_34 : memref<!tpu.dma_semaphore, #tpu.memory_space<semaphore_mem>>)
      %dma_wait3A_37 = arith.constant 0 : i32
      %dma_wait3A_38 = tpu.memref_slice %arg17[%mul3A_0, %dma_wait3A_37] : memref<10016x128xf32, #tpu.memory_space<vmem_shared>> -> memref<626x128xf32, #tpu.memory_space<vmem_shared>>
      tpu.wait_dma2 semaphore(%run_scoped3A_34 : memref<!tpu.dma_semaphore, #tpu.memory_space<semaphore_mem>>) src(%arg5 : memref<626x128xf32, #tpu.memory_space<hbm>>) dst(%dma_wait3A_38 : memref<626x128xf32, #tpu.memory_space<vmem_shared>>)
      tpu.yield
    }) : () -> ()
    %eq3A = arith.constant 0 : i32
    %eq3A_3 = arith.cmpi eq, %arg0, %eq3A : i32
    %convert_element_type3A = arith.extui %eq3A_3 : i1 to i32
    %cond3A = arith.constant 0 : i32
    %cond3A_4 = arith.cmpi ne, %convert_element_type3A, %cond3A : i32
    scf.if %cond3A_4 {
      "tpu.region"() ({
        %run_scoped3A_34 = tpu.sem_alloc : memref<!tpu.dma_semaphore, #tpu.memory_space<semaphore_mem>>
        %dma_start3A_35 = arith.constant 0 : i32
        %dma_start3A_36 = tpu.memref_slice %arg18[%mul3A_0, %dma_start3A_35] : memref<10016x16xf32, #tpu.memory_space<vmem_shared>> -> memref<626x16xf32, #tpu.memory_space<vmem_shared>>
        tpu.enqueue_dma source(%arg6 : memref<626x16xf32, #tpu.memory_space<hbm>>) target(%dma_start3A_36 : memref<626x16xf32, #tpu.memory_space<vmem_shared>>) target_semaphore(%run_scoped3A_34 : memref<!tpu.dma_semaphore, #tpu.memory_space<semaphore_mem>>)
        %dma_wait3A_37 = arith.constant 0 : i32
        %dma_wait3A_38 = tpu.memref_slice %arg18[%mul3A_0, %dma_wait3A_37] : memref<10016x16xf32, #tpu.memory_space<vmem_shared>> -> memref<626x16xf32, #tpu.memory_space<vmem_shared>>
        tpu.wait_dma2 semaphore(%run_scoped3A_34 : memref<!tpu.dma_semaphore, #tpu.memory_space<semaphore_mem>>) src(%arg6 : memref<626x16xf32, #tpu.memory_space<hbm>>) dst(%dma_wait3A_38 : memref<626x16xf32, #tpu.memory_space<vmem_shared>>)
        tpu.yield
      }) : () -> ()
    } else {
    }
    %barrier3A = arith.constant 0 : index
    tpu.barrier barrier_id(%barrier3A)
    %add3A = arith.constant 0 : i32
    %add3A_5 = arith.addi %mul3A_2, %add3A : i32
    %run_scoped3A = arith.constant 0 : i32
    "tpu.region"() ({
      %run_scoped3A_34 = tpu.sem_alloc : memref<!tpu.dma_semaphore, #tpu.memory_space<semaphore_mem>>
      %dma_start3A_35 = arith.constant 0 : i32
      %dma_start3A_36 = arith.constant 0 : i32
      %dma_start3A_37 = tpu.memref_slice %arg10[%run_scoped3A, %dma_start3A_35, %dma_start3A_36] : memref<2x4x128xi32, #tpu.memory_space<vmem>> -> memref<1x4x128xi32, #tpu.memory_space<vmem>>
      %dma_start3A_38 = tpu.memref_squeeze %dma_start3A_37 : memref<1x4x128xi32, #tpu.memory_space<vmem>> -> memref<4x128xi32, #tpu.memory_space<vmem>>
      %dma_start3A_39 = arith.constant 0 : i32
      %dma_start3A_40 = tpu.memref_slice %arg3[%arg0, %add3A_5, %dma_start3A_39] : memref<2x1284x128xi32, #tpu.memory_space<hbm>> -> memref<1x4x128xi32, #tpu.memory_space<hbm>>
      %dma_start3A_41 = tpu.memref_squeeze %dma_start3A_40 : memref<1x4x128xi32, #tpu.memory_space<hbm>> -> memref<4x128xi32, #tpu.memory_space<hbm>>
      %dma_start3A_42 = arith.constant 0 : i32
      %dma_start3A_43 = arith.constant 0 : i32
      %dma_start3A_44 = tpu.memref_slice %arg10[%run_scoped3A, %dma_start3A_42, %dma_start3A_43] : memref<2x4x128xi32, #tpu.memory_space<vmem>> -> memref<1x4x128xi32, #tpu.memory_space<vmem>>
      %dma_start3A_45 = tpu.memref_squeeze %dma_start3A_44 : memref<1x4x128xi32, #tpu.memory_space<vmem>> -> memref<4x128xi32, #tpu.memory_space<vmem>>
      %dma_start3A_46 = arith.constant 0 : i32
      %dma_start3A_47 = tpu.memref_slice %arg3[%arg0, %add3A_5, %dma_start3A_46] : memref<2x1284x128xi32, #tpu.memory_space<hbm>> -> memref<1x4x128xi32, #tpu.memory_space<hbm>>
      %dma_start3A_48 = tpu.memref_squeeze %dma_start3A_47 : memref<1x4x128xi32, #tpu.memory_space<hbm>> -> memref<4x128xi32, #tpu.memory_space<hbm>>
      tpu.enqueue_dma source(%dma_start3A_48 : memref<4x128xi32, #tpu.memory_space<hbm>>) target(%dma_start3A_45 : memref<4x128xi32, #tpu.memory_space<vmem>>) target_semaphore(%run_scoped3A_34 : memref<!tpu.dma_semaphore, #tpu.memory_space<semaphore_mem>>)
      %dma_wait3A_49 = arith.constant 0 : i32
      %dma_wait3A_50 = arith.constant 0 : i32
      %dma_wait3A_51 = tpu.memref_slice %arg10[%run_scoped3A, %dma_wait3A_49, %dma_wait3A_50] : memref<2x4x128xi32, #tpu.memory_space<vmem>> -> memref<1x4x128xi32, #tpu.memory_space<vmem>>
      %dma_wait3A_52 = tpu.memref_squeeze %dma_wait3A_51 : memref<1x4x128xi32, #tpu.memory_space<vmem>> -> memref<4x128xi32, #tpu.memory_space<vmem>>
      %dma_wait3A_53 = arith.constant 0 : i32
      %dma_wait3A_54 = tpu.memref_slice %arg3[%arg0, %add3A_5, %dma_wait3A_53] : memref<2x1284x128xi32, #tpu.memory_space<hbm>> -> memref<1x4x128xi32, #tpu.memory_space<hbm>>
      %dma_wait3A_55 = tpu.memref_squeeze %dma_wait3A_54 : memref<1x4x128xi32, #tpu.memory_space<hbm>> -> memref<4x128xi32, #tpu.memory_space<hbm>>
      %dma_wait3A_56 = arith.constant 0 : i32
      %dma_wait3A_57 = arith.constant 0 : i32
      %dma_wait3A_58 = tpu.memref_slice %arg10[%run_scoped3A, %dma_wait3A_56, %dma_wait3A_57] : memref<2x4x128xi32, #tpu.memory_space<vmem>> -> memref<1x4x128xi32, #tpu.memory_space<vmem>>
      %dma_wait3A_59 = tpu.memref_squeeze %dma_wait3A_58 : memref<1x4x128xi32, #tpu.memory_space<vmem>> -> memref<4x128xi32, #tpu.memory_space<vmem>>
      %dma_wait3A_60 = arith.constant 0 : i32
      %dma_wait3A_61 = tpu.memref_slice %arg3[%arg0, %add3A_5, %dma_wait3A_60] : memref<2x1284x128xi32, #tpu.memory_space<hbm>> -> memref<1x4x128xi32, #tpu.memory_space<hbm>>
      %dma_wait3A_62 = tpu.memref_squeeze %dma_wait3A_61 : memref<1x4x128xi32, #tpu.memory_space<hbm>> -> memref<4x128xi32, #tpu.memory_space<hbm>>
      tpu.wait_dma2 semaphore(%run_scoped3A_34 : memref<!tpu.dma_semaphore, #tpu.memory_space<semaphore_mem>>) src(%dma_wait3A_62 : memref<4x128xi32, #tpu.memory_space<hbm>>) dst(%dma_wait3A_59 : memref<4x128xi32, #tpu.memory_space<vmem>>)
      tpu.yield
    }) : () -> ()
    %add3A_6 = arith.constant 0 : i32
    %add3A_7 = arith.addi %mul3A_2, %add3A_6 : i32
    %run_scoped3A_8 = arith.constant 0 : i32
    "tpu.region"() ({
      %run_scoped3A_34 = tpu.sem_alloc : memref<!tpu.dma_semaphore, #tpu.memory_space<semaphore_mem>>
      %dma_start3A_35 = arith.constant 0 : i32
      %dma_start3A_36 = arith.constant 0 : i32
      %dma_start3A_37 = tpu.memref_slice %arg11[%run_scoped3A_8, %dma_start3A_35, %dma_start3A_36] : memref<2x4x128xi32, #tpu.memory_space<vmem>> -> memref<1x4x128xi32, #tpu.memory_space<vmem>>
      %dma_start3A_38 = tpu.memref_squeeze %dma_start3A_37 : memref<1x4x128xi32, #tpu.memory_space<vmem>> -> memref<4x128xi32, #tpu.memory_space<vmem>>
      %dma_start3A_39 = arith.constant 0 : i32
      %dma_start3A_40 = tpu.memref_slice %arg4[%add3A_7, %dma_start3A_39] : memref<1284x128xi32, #tpu.memory_space<hbm>> -> memref<4x128xi32, #tpu.memory_space<hbm>>
      %dma_start3A_41 = arith.constant 0 : i32
      %dma_start3A_42 = arith.constant 0 : i32
      %dma_start3A_43 = tpu.memref_slice %arg11[%run_scoped3A_8, %dma_start3A_41, %dma_start3A_42] : memref<2x4x128xi32, #tpu.memory_space<vmem>> -> memref<1x4x128xi32, #tpu.memory_space<vmem>>
      %dma_start3A_44 = tpu.memref_squeeze %dma_start3A_43 : memref<1x4x128xi32, #tpu.memory_space<vmem>> -> memref<4x128xi32, #tpu.memory_space<vmem>>
      %dma_start3A_45 = arith.constant 0 : i32
      %dma_start3A_46 = tpu.memref_slice %arg4[%add3A_7, %dma_start3A_45] : memref<1284x128xi32, #tpu.memory_space<hbm>> -> memref<4x128xi32, #tpu.memory_space<hbm>>
      tpu.enqueue_dma source(%dma_start3A_46 : memref<4x128xi32, #tpu.memory_space<hbm>>) target(%dma_start3A_44 : memref<4x128xi32, #tpu.memory_space<vmem>>) target_semaphore(%run_scoped3A_34 : memref<!tpu.dma_semaphore, #tpu.memory_space<semaphore_mem>>)
      %dma_wait3A_47 = arith.constant 0 : i32
      %dma_wait3A_48 = arith.constant 0 : i32
      %dma_wait3A_49 = tpu.memref_slice %arg11[%run_scoped3A_8, %dma_wait3A_47, %dma_wait3A_48] : memref<2x4x128xi32, #tpu.memory_space<vmem>> -> memref<1x4x128xi32, #tpu.memory_space<vmem>>
      %dma_wait3A_50 = tpu.memref_squeeze %dma_wait3A_49 : memref<1x4x128xi32, #tpu.memory_space<vmem>> -> memref<4x128xi32, #tpu.memory_space<vmem>>
      %dma_wait3A_51 = arith.constant 0 : i32
      %dma_wait3A_52 = tpu.memref_slice %arg4[%add3A_7, %dma_wait3A_51] : memref<1284x128xi32, #tpu.memory_space<hbm>> -> memref<4x128xi32, #tpu.memory_space<hbm>>
      %dma_wait3A_53 = arith.constant 0 : i32
      %dma_wait3A_54 = arith.constant 0 : i32
      %dma_wait3A_55 = tpu.memref_slice %arg11[%run_scoped3A_8, %dma_wait3A_53, %dma_wait3A_54] : memref<2x4x128xi32, #tpu.memory_space<vmem>> -> memref<1x4x128xi32, #tpu.memory_space<vmem>>
      %dma_wait3A_56 = tpu.memref_squeeze %dma_wait3A_55 : memref<1x4x128xi32, #tpu.memory_space<vmem>> -> memref<4x128xi32, #tpu.memory_space<vmem>>
      %dma_wait3A_57 = arith.constant 0 : i32
      %dma_wait3A_58 = tpu.memref_slice %arg4[%add3A_7, %dma_wait3A_57] : memref<1284x128xi32, #tpu.memory_space<hbm>> -> memref<4x128xi32, #tpu.memory_space<hbm>>
      tpu.wait_dma2 semaphore(%run_scoped3A_34 : memref<!tpu.dma_semaphore, #tpu.memory_space<semaphore_mem>>) src(%dma_wait3A_58 : memref<4x128xi32, #tpu.memory_space<hbm>>) dst(%dma_wait3A_56 : memref<4x128xi32, #tpu.memory_space<vmem>>)
      tpu.yield
    }) : () -> ()
    %dma_start3A = arith.constant 0 : i32
    %dma_start3A_9 = arith.constant 0 : i32
    %dma_start3A_10 = arith.constant 0 : i32
    %dma_start3A_11 = tpu.memref_slice %arg10[%dma_start3A, %dma_start3A_9, %dma_start3A_10] : memref<2x4x128xi32, #tpu.memory_space<vmem>> -> memref<1x1x128xi32, #tpu.memory_space<vmem>>
    %dma_start3A_12 = tpu.memref_squeeze %dma_start3A_11 : memref<1x1x128xi32, #tpu.memory_space<vmem>> -> memref<128xi32, #tpu.memory_space<vmem>>
    %dma_start3A_13 = arith.constant 0 : i32
    %dma_start3A_14 = arith.constant 0 : i32
    %dma_start3A_15 = tpu.memref_slice %arg2[%dma_start3A_13, %dma_start3A_14] : memref<20000x128xf32, #tpu.memory_space<hbm>> -> memref<20000x128xf32, #tpu.memory_space<hbm>>
    tpu.enqueue_indirect_dma source(%dma_start3A_15 : memref<20000x128xf32, #tpu.memory_space<hbm>>) target(%arg12 : memref<128x128xf32, #tpu.memory_space<vmem>>) offsets(%dma_start3A_12 : memref<128xi32, #tpu.memory_space<vmem>>) semaphore(%arg15 : memref<!tpu.dma_semaphore, #tpu.memory_space<semaphore_mem>>)
    %scan3A = arith.constant 0 : i32
    %scan3A_16 = arith.constant 0 : i32
    %scan3A_17 = arith.constant 10 : i32
    %scan3A_18 = arith.addi %scan3A_16, %scan3A_17 : i32
    %scan3A_19 = arith.constant 1 : i32
    scf.for %scan3A_34 = %scan3A_16 to %scan3A_18 step %scan3A_19  : i32 {
      %mul3A_35 = arith.constant 2 : i32
      %mul3A_36 = arith.muli %mul3A_35, %scan3A_34 : i32
      %add3A_37 = arith.constant 0 : i32
      %add3A_38 = arith.addi %mul3A_36, %add3A_37 : i32
      %add3A_39 = arith.constant 1 : i32
      %add3A_40 = arith.addi %add3A_38, %add3A_39 : i32
      %mul3A_41 = arith.constant 4 : i32
      %mul3A_42 = arith.muli %add3A_40, %mul3A_41 : i32
      %add3A_43 = arith.addi %mul3A_2, %mul3A_42 : i32
      %run_scoped3A_44 = arith.constant 1 : i32
      "tpu.region"() ({
        %run_scoped3A_247 = tpu.sem_alloc : memref<!tpu.dma_semaphore, #tpu.memory_space<semaphore_mem>>
        %dma_start3A_248 = arith.constant 0 : i32
        %dma_start3A_249 = arith.constant 0 : i32
        %dma_start3A_250 = tpu.memref_slice %arg10[%run_scoped3A_44, %dma_start3A_248, %dma_start3A_249] : memref<2x4x128xi32, #tpu.memory_space<vmem>> -> memref<1x4x128xi32, #tpu.memory_space<vmem>>
        %dma_start3A_251 = tpu.memref_squeeze %dma_start3A_250 : memref<1x4x128xi32, #tpu.memory_space<vmem>> -> memref<4x128xi32, #tpu.memory_space<vmem>>
        %dma_start3A_252 = arith.constant 0 : i32
        %dma_start3A_253 = tpu.memref_slice %arg3[%arg0, %add3A_43, %dma_start3A_252] : memref<2x1284x128xi32, #tpu.memory_space<hbm>> -> memref<1x4x128xi32, #tpu.memory_space<hbm>>
        %dma_start3A_254 = tpu.memref_squeeze %dma_start3A_253 : memref<1x4x128xi32, #tpu.memory_space<hbm>> -> memref<4x128xi32, #tpu.memory_space<hbm>>
        %dma_start3A_255 = arith.constant 0 : i32
        %dma_start3A_256 = arith.constant 0 : i32
        %dma_start3A_257 = tpu.memref_slice %arg10[%run_scoped3A_44, %dma_start3A_255, %dma_start3A_256] : memref<2x4x128xi32, #tpu.memory_space<vmem>> -> memref<1x4x128xi32, #tpu.memory_space<vmem>>
        %dma_start3A_258 = tpu.memref_squeeze %dma_start3A_257 : memref<1x4x128xi32, #tpu.memory_space<vmem>> -> memref<4x128xi32, #tpu.memory_space<vmem>>
        %dma_start3A_259 = arith.constant 0 : i32
        %dma_start3A_260 = tpu.memref_slice %arg3[%arg0, %add3A_43, %dma_start3A_259] : memref<2x1284x128xi32, #tpu.memory_space<hbm>> -> memref<1x4x128xi32, #tpu.memory_space<hbm>>
        %dma_start3A_261 = tpu.memref_squeeze %dma_start3A_260 : memref<1x4x128xi32, #tpu.memory_space<hbm>> -> memref<4x128xi32, #tpu.memory_space<hbm>>
        tpu.enqueue_dma source(%dma_start3A_261 : memref<4x128xi32, #tpu.memory_space<hbm>>) target(%dma_start3A_258 : memref<4x128xi32, #tpu.memory_space<vmem>>) target_semaphore(%run_scoped3A_247 : memref<!tpu.dma_semaphore, #tpu.memory_space<semaphore_mem>>)
        %dma_wait3A_262 = arith.constant 0 : i32
        %dma_wait3A_263 = arith.constant 0 : i32
        %dma_wait3A_264 = tpu.memref_slice %arg10[%run_scoped3A_44, %dma_wait3A_262, %dma_wait3A_263] : memref<2x4x128xi32, #tpu.memory_space<vmem>> -> memref<1x4x128xi32, #tpu.memory_space<vmem>>
        %dma_wait3A_265 = tpu.memref_squeeze %dma_wait3A_264 : memref<1x4x128xi32, #tpu.memory_space<vmem>> -> memref<4x128xi32, #tpu.memory_space<vmem>>
        %dma_wait3A_266 = arith.constant 0 : i32
        %dma_wait3A_267 = tpu.memref_slice %arg3[%arg0, %add3A_43, %dma_wait3A_266] : memref<2x1284x128xi32, #tpu.memory_space<hbm>> -> memref<1x4x128xi32, #tpu.memory_space<hbm>>
        %dma_wait3A_268 = tpu.memref_squeeze %dma_wait3A_267 : memref<1x4x128xi32, #tpu.memory_space<hbm>> -> memref<4x128xi32, #tpu.memory_space<hbm>>
        %dma_wait3A_269 = arith.constant 0 : i32
        %dma_wait3A_270 = arith.constant 0 : i32
        %dma_wait3A_271 = tpu.memref_slice %arg10[%run_scoped3A_44, %dma_wait3A_269, %dma_wait3A_270] : memref<2x4x128xi32, #tpu.memory_space<vmem>> -> memref<1x4x128xi32, #tpu.memory_space<vmem>>
        %dma_wait3A_272 = tpu.memref_squeeze %dma_wait3A_271 : memref<1x4x128xi32, #tpu.memory_space<vmem>> -> memref<4x128xi32, #tpu.memory_space<vmem>>
        %dma_wait3A_273 = arith.constant 0 : i32
        %dma_wait3A_274 = tpu.memref_slice %arg3[%arg0, %add3A_43, %dma_wait3A_273] : memref<2x1284x128xi32, #tpu.memory_space<hbm>> -> memref<1x4x128xi32, #tpu.memory_space<hbm>>
        %dma_wait3A_275 = tpu.memref_squeeze %dma_wait3A_274 : memref<1x4x128xi32, #tpu.memory_space<hbm>> -> memref<4x128xi32, #tpu.memory_space<hbm>>
        tpu.wait_dma2 semaphore(%run_scoped3A_247 : memref<!tpu.dma_semaphore, #tpu.memory_space<semaphore_mem>>) src(%dma_wait3A_275 : memref<4x128xi32, #tpu.memory_space<hbm>>) dst(%dma_wait3A_272 : memref<4x128xi32, #tpu.memory_space<vmem>>)
        tpu.yield
      }) : () -> ()
      %mul3A_45 = arith.constant 4 : i32
      %mul3A_46 = arith.muli %add3A_40, %mul3A_45 : i32
      %add3A_47 = arith.addi %mul3A_2, %mul3A_46 : i32
      %run_scoped3A_48 = arith.constant 1 : i32
      "tpu.region"() ({
        %run_scoped3A_247 = tpu.sem_alloc : memref<!tpu.dma_semaphore, #tpu.memory_space<semaphore_mem>>
        %dma_start3A_248 = arith.constant 0 : i32
        %dma_start3A_249 = arith.constant 0 : i32
        %dma_start3A_250 = tpu.memref_slice %arg11[%run_scoped3A_48, %dma_start3A_248, %dma_start3A_249] : memref<2x4x128xi32, #tpu.memory_space<vmem>> -> memref<1x4x128xi32, #tpu.memory_space<vmem>>
        %dma_start3A_251 = tpu.memref_squeeze %dma_start3A_250 : memref<1x4x128xi32, #tpu.memory_space<vmem>> -> memref<4x128xi32, #tpu.memory_space<vmem>>
        %dma_start3A_252 = arith.constant 0 : i32
        %dma_start3A_253 = tpu.memref_slice %arg4[%add3A_47, %dma_start3A_252] : memref<1284x128xi32, #tpu.memory_space<hbm>> -> memref<4x128xi32, #tpu.memory_space<hbm>>
        %dma_start3A_254 = arith.constant 0 : i32
        %dma_start3A_255 = arith.constant 0 : i32
        %dma_start3A_256 = tpu.memref_slice %arg11[%run_scoped3A_48, %dma_start3A_254, %dma_start3A_255] : memref<2x4x128xi32, #tpu.memory_space<vmem>> -> memref<1x4x128xi32, #tpu.memory_space<vmem>>
        %dma_start3A_257 = tpu.memref_squeeze %dma_start3A_256 : memref<1x4x128xi32, #tpu.memory_space<vmem>> -> memref<4x128xi32, #tpu.memory_space<vmem>>
        %dma_start3A_258 = arith.constant 0 : i32
        %dma_start3A_259 = tpu.memref_slice %arg4[%add3A_47, %dma_start3A_258] : memref<1284x128xi32, #tpu.memory_space<hbm>> -> memref<4x128xi32, #tpu.memory_space<hbm>>
        tpu.enqueue_dma source(%dma_start3A_259 : memref<4x128xi32, #tpu.memory_space<hbm>>) target(%dma_start3A_257 : memref<4x128xi32, #tpu.memory_space<vmem>>) target_semaphore(%run_scoped3A_247 : memref<!tpu.dma_semaphore, #tpu.memory_space<semaphore_mem>>)
        %dma_wait3A_260 = arith.constant 0 : i32
        %dma_wait3A_261 = arith.constant 0 : i32
        %dma_wait3A_262 = tpu.memref_slice %arg11[%run_scoped3A_48, %dma_wait3A_260, %dma_wait3A_261] : memref<2x4x128xi32, #tpu.memory_space<vmem>> -> memref<1x4x128xi32, #tpu.memory_space<vmem>>
        %dma_wait3A_263 = tpu.memref_squeeze %dma_wait3A_262 : memref<1x4x128xi32, #tpu.memory_space<vmem>> -> memref<4x128xi32, #tpu.memory_space<vmem>>
        %dma_wait3A_264 = arith.constant 0 : i32
        %dma_wait3A_265 = tpu.memref_slice %arg4[%add3A_47, %dma_wait3A_264] : memref<1284x128xi32, #tpu.memory_space<hbm>> -> memref<4x128xi32, #tpu.memory_space<hbm>>
        %dma_wait3A_266 = arith.constant 0 : i32
        %dma_wait3A_267 = arith.constant 0 : i32
        %dma_wait3A_268 = tpu.memref_slice %arg11[%run_scoped3A_48, %dma_wait3A_266, %dma_wait3A_267] : memref<2x4x128xi32, #tpu.memory_space<vmem>> -> memref<1x4x128xi32, #tpu.memory_space<vmem>>
        %dma_wait3A_269 = tpu.memref_squeeze %dma_wait3A_268 : memref<1x4x128xi32, #tpu.memory_space<vmem>> -> memref<4x128xi32, #tpu.memory_space<vmem>>
        %dma_wait3A_270 = arith.constant 0 : i32
        %dma_wait3A_271 = tpu.memref_slice %arg4[%add3A_47, %dma_wait3A_270] : memref<1284x128xi32, #tpu.memory_space<hbm>> -> memref<4x128xi32, #tpu.memory_space<hbm>>
        tpu.wait_dma2 semaphore(%run_scoped3A_247 : memref<!tpu.dma_semaphore, #tpu.memory_space<semaphore_mem>>) src(%dma_wait3A_271 : memref<4x128xi32, #tpu.memory_space<hbm>>) dst(%dma_wait3A_269 : memref<4x128xi32, #tpu.memory_space<vmem>>)
        tpu.yield
      }) : () -> ()
      %dma_start3A_49 = arith.constant 0 : i32
      %dma_start3A_50 = arith.constant 1 : i32
      %dma_start3A_51 = arith.constant 0 : i32
      %dma_start3A_52 = tpu.memref_slice %arg10[%dma_start3A_49, %dma_start3A_50, %dma_start3A_51] : memref<2x4x128xi32, #tpu.memory_space<vmem>> -> memref<1x1x128xi32, #tpu.memory_space<vmem>>
      %dma_start3A_53 = tpu.memref_squeeze %dma_start3A_52 : memref<1x1x128xi32, #tpu.memory_space<vmem>> -> memref<128xi32, #tpu.memory_space<vmem>>
      %dma_start3A_54 = arith.constant 0 : i32
      %dma_start3A_55 = arith.constant 0 : i32
      %dma_start3A_56 = tpu.memref_slice %arg2[%dma_start3A_54, %dma_start3A_55] : memref<20000x128xf32, #tpu.memory_space<hbm>> -> memref<20000x128xf32, #tpu.memory_space<hbm>>
      tpu.enqueue_indirect_dma source(%dma_start3A_56 : memref<20000x128xf32, #tpu.memory_space<hbm>>) target(%arg13 : memref<128x128xf32, #tpu.memory_space<vmem>>) offsets(%dma_start3A_53 : memref<128xi32, #tpu.memory_space<vmem>>) semaphore(%arg16 : memref<!tpu.dma_semaphore, #tpu.memory_space<semaphore_mem>>)
      %dma_wait3A_57 = arith.constant 0 : i32
      %dma_wait3A_58 = arith.constant 0 : i32
      %dma_wait3A_59 = arith.constant 0 : i32
      %dma_wait3A_60 = tpu.memref_slice %arg10[%dma_wait3A_57, %dma_wait3A_58, %dma_wait3A_59] : memref<2x4x128xi32, #tpu.memory_space<vmem>> -> memref<1x1x128xi32, #tpu.memory_space<vmem>>
      %dma_wait3A_61 = tpu.memref_squeeze %dma_wait3A_60 : memref<1x1x128xi32, #tpu.memory_space<vmem>> -> memref<128xi32, #tpu.memory_space<vmem>>
      %dma_wait3A_62 = arith.constant 0 : i32
      %dma_wait3A_63 = arith.constant 0 : i32
      %dma_wait3A_64 = tpu.memref_slice %arg2[%dma_wait3A_62, %dma_wait3A_63] : memref<20000x128xf32, #tpu.memory_space<hbm>> -> memref<20000x128xf32, #tpu.memory_space<hbm>>
      tpu.wait_indirect_dma semaphore(%arg15 : memref<!tpu.dma_semaphore, #tpu.memory_space<semaphore_mem>>) src(%dma_wait3A_64 : memref<20000x128xf32, #tpu.memory_space<hbm>>) dst(%arg12 : memref<128x128xf32, #tpu.memory_space<vmem>>)
      %run_scoped3A_65 = arith.constant 0 : i32
      %run_scoped3A_66 = arith.constant 0 : i32
      "tpu.region"() ({
        %run_scoped3A_247 = tpu.sem_alloc : memref<!tpu.dma_semaphore, #tpu.memory_space<semaphore_mem>>
        %dma_start3A_248 = arith.constant 0 : i32
        %dma_start3A_249 = tpu.memref_slice %arg11[%run_scoped3A_65, %run_scoped3A_66, %dma_start3A_248] : memref<2x4x128xi32, #tpu.memory_space<vmem>> -> memref<1x1x128xi32, #tpu.memory_space<vmem>>
        %dma_start3A_250 = tpu.memref_squeeze %dma_start3A_249 : memref<1x1x128xi32, #tpu.memory_space<vmem>> -> memref<128xi32, #tpu.memory_space<vmem>>
        %dma_start3A_251 = arith.constant 0 : i32
        %dma_start3A_252 = arith.constant 0 : i32
        %dma_start3A_253 = tpu.memref_slice %arg17[%dma_start3A_251, %dma_start3A_252] : memref<10016x128xf32, #tpu.memory_space<vmem_shared>> -> memref<10016x128xf32, #tpu.memory_space<vmem_shared>>
        tpu.enqueue_indirect_dma source(%arg12 : memref<128x128xf32, #tpu.memory_space<vmem>>) target(%dma_start3A_253 : memref<10016x128xf32, #tpu.memory_space<vmem_shared>>) offsets(%dma_start3A_250 : memref<128xi32, #tpu.memory_space<vmem>>) semaphore(%run_scoped3A_247 : memref<!tpu.dma_semaphore, #tpu.memory_space<semaphore_mem>>) {add = true}
        %dma_wait3A_254 = arith.constant 0 : i32
        %dma_wait3A_255 = tpu.memref_slice %arg11[%run_scoped3A_65, %run_scoped3A_66, %dma_wait3A_254] : memref<2x4x128xi32, #tpu.memory_space<vmem>> -> memref<1x1x128xi32, #tpu.memory_space<vmem>>
        %dma_wait3A_256 = tpu.memref_squeeze %dma_wait3A_255 : memref<1x1x128xi32, #tpu.memory_space<vmem>> -> memref<128xi32, #tpu.memory_space<vmem>>
        %dma_wait3A_257 = arith.constant 0 : i32
        %dma_wait3A_258 = arith.constant 0 : i32
        %dma_wait3A_259 = tpu.memref_slice %arg17[%dma_wait3A_257, %dma_wait3A_258] : memref<10016x128xf32, #tpu.memory_space<vmem_shared>> -> memref<10016x128xf32, #tpu.memory_space<vmem_shared>>
        tpu.wait_indirect_dma semaphore(%run_scoped3A_247 : memref<!tpu.dma_semaphore, #tpu.memory_space<semaphore_mem>>) src(%arg12 : memref<128x128xf32, #tpu.memory_space<vmem>>) dst(%dma_wait3A_259 : memref<10016x128xf32, #tpu.memory_space<vmem_shared>>)
        tpu.yield
      }) : () -> ()
      %eq3A_67 = arith.constant 0 : i32
      %eq3A_68 = arith.cmpi eq, %arg0, %eq3A_67 : i32
      %convert_element_type3A_69 = arith.extui %eq3A_68 : i1 to i32
      %cond3A_70 = arith.constant 0 : i32
      %cond3A_71 = arith.cmpi ne, %convert_element_type3A_69, %cond3A_70 : i32
      scf.if %cond3A_71 {
        %run_scoped3A_247 = arith.constant 0 : i32
        %run_scoped3A_248 = arith.constant 0 : i32
        "tpu.region"() ({
          %run_scoped3A_249 = tpu.sem_alloc : memref<!tpu.dma_semaphore, #tpu.memory_space<semaphore_mem>>
          %dma_start3A_250 = arith.constant 0 : i32
          %dma_start3A_251 = tpu.memref_slice %arg11[%run_scoped3A_247, %run_scoped3A_248, %dma_start3A_250] : memref<2x4x128xi32, #tpu.memory_space<vmem>> -> memref<1x1x128xi32, #tpu.memory_space<vmem>>
          %dma_start3A_252 = tpu.memref_squeeze %dma_start3A_251 : memref<1x1x128xi32, #tpu.memory_space<vmem>> -> memref<128xi32, #tpu.memory_space<vmem>>
          %dma_start3A_253 = arith.constant 0 : i32
          %dma_start3A_254 = arith.constant 0 : i32
          %dma_start3A_255 = tpu.memref_slice %arg18[%dma_start3A_253, %dma_start3A_254] : memref<10016x16xf32, #tpu.memory_space<vmem_shared>> -> memref<10016x16xf32, #tpu.memory_space<vmem_shared>>
          tpu.enqueue_indirect_dma source(%arg14 : memref<128x16xf32, #tpu.memory_space<vmem>>) target(%dma_start3A_255 : memref<10016x16xf32, #tpu.memory_space<vmem_shared>>) offsets(%dma_start3A_252 : memref<128xi32, #tpu.memory_space<vmem>>) semaphore(%run_scoped3A_249 : memref<!tpu.dma_semaphore, #tpu.memory_space<semaphore_mem>>) {add = true}
          %dma_wait3A_256 = arith.constant 0 : i32
          %dma_wait3A_257 = tpu.memref_slice %arg11[%run_scoped3A_247, %run_scoped3A_248, %dma_wait3A_256] : memref<2x4x128xi32, #tpu.memory_space<vmem>> -> memref<1x1x128xi32, #tpu.memory_space<vmem>>
          %dma_wait3A_258 = tpu.memref_squeeze %dma_wait3A_257 : memref<1x1x128xi32, #tpu.memory_space<vmem>> -> memref<128xi32, #tpu.memory_space<vmem>>
          %dma_wait3A_259 = arith.constant 0 : i32
          %dma_wait3A_260 = arith.constant 0 : i32
          %dma_wait3A_261 = tpu.memref_slice %arg18[%dma_wait3A_259, %dma_wait3A_260] : memref<10016x16xf32, #tpu.memory_space<vmem_shared>> -> memref<10016x16xf32, #tpu.memory_space<vmem_shared>>
          tpu.wait_indirect_dma semaphore(%run_scoped3A_249 : memref<!tpu.dma_semaphore, #tpu.memory_space<semaphore_mem>>) src(%arg14 : memref<128x16xf32, #tpu.memory_space<vmem>>) dst(%dma_wait3A_261 : memref<10016x16xf32, #tpu.memory_space<vmem_shared>>)
          tpu.yield
        }) : () -> ()
      } else {
      }
      %dma_start3A_72 = arith.constant 0 : i32
      %dma_start3A_73 = arith.constant 2 : i32
      %dma_start3A_74 = arith.constant 0 : i32
      %dma_start3A_75 = tpu.memref_slice %arg10[%dma_start3A_72, %dma_start3A_73, %dma_start3A_74] : memref<2x4x128xi32, #tpu.memory_space<vmem>> -> memref<1x1x128xi32, #tpu.memory_space<vmem>>
      %dma_start3A_76 = tpu.memref_squeeze %dma_start3A_75 : memref<1x1x128xi32, #tpu.memory_space<vmem>> -> memref<128xi32, #tpu.memory_space<vmem>>
      %dma_start3A_77 = arith.constant 0 : i32
      %dma_start3A_78 = arith.constant 0 : i32
      %dma_start3A_79 = tpu.memref_slice %arg2[%dma_start3A_77, %dma_start3A_78] : memref<20000x128xf32, #tpu.memory_space<hbm>> -> memref<20000x128xf32, #tpu.memory_space<hbm>>
      tpu.enqueue_indirect_dma source(%dma_start3A_79 : memref<20000x128xf32, #tpu.memory_space<hbm>>) target(%arg12 : memref<128x128xf32, #tpu.memory_space<vmem>>) offsets(%dma_start3A_76 : memref<128xi32, #tpu.memory_space<vmem>>) semaphore(%arg15 : memref<!tpu.dma_semaphore, #tpu.memory_space<semaphore_mem>>)
      %dma_wait3A_80 = arith.constant 0 : i32
      %dma_wait3A_81 = arith.constant 1 : i32
      %dma_wait3A_82 = arith.constant 0 : i32
      %dma_wait3A_83 = tpu.memref_slice %arg10[%dma_wait3A_80, %dma_wait3A_81, %dma_wait3A_82] : memref<2x4x128xi32, #tpu.memory_space<vmem>> -> memref<1x1x128xi32, #tpu.memory_space<vmem>>
      %dma_wait3A_84 = tpu.memref_squeeze %dma_wait3A_83 : memref<1x1x128xi32, #tpu.memory_space<vmem>> -> memref<128xi32, #tpu.memory_space<vmem>>
      %dma_wait3A_85 = arith.constant 0 : i32
      %dma_wait3A_86 = arith.constant 0 : i32
      %dma_wait3A_87 = tpu.memref_slice %arg2[%dma_wait3A_85, %dma_wait3A_86] : memref<20000x128xf32, #tpu.memory_space<hbm>> -> memref<20000x128xf32, #tpu.memory_space<hbm>>
      tpu.wait_indirect_dma semaphore(%arg16 : memref<!tpu.dma_semaphore, #tpu.memory_space<semaphore_mem>>) src(%dma_wait3A_87 : memref<20000x128xf32, #tpu.memory_space<hbm>>) dst(%arg13 : memref<128x128xf32, #tpu.memory_space<vmem>>)
      %run_scoped3A_88 = arith.constant 0 : i32
      %run_scoped3A_89 = arith.constant 1 : i32
      "tpu.region"() ({
        %run_scoped3A_247 = tpu.sem_alloc : memref<!tpu.dma_semaphore, #tpu.memory_space<semaphore_mem>>
        %dma_start3A_248 = arith.constant 0 : i32
        %dma_start3A_249 = tpu.memref_slice %arg11[%run_scoped3A_88, %run_scoped3A_89, %dma_start3A_248] : memref<2x4x128xi32, #tpu.memory_space<vmem>> -> memref<1x1x128xi32, #tpu.memory_space<vmem>>
        %dma_start3A_250 = tpu.memref_squeeze %dma_start3A_249 : memref<1x1x128xi32, #tpu.memory_space<vmem>> -> memref<128xi32, #tpu.memory_space<vmem>>
        %dma_start3A_251 = arith.constant 0 : i32
        %dma_start3A_252 = arith.constant 0 : i32
        %dma_start3A_253 = tpu.memref_slice %arg17[%dma_start3A_251, %dma_start3A_252] : memref<10016x128xf32, #tpu.memory_space<vmem_shared>> -> memref<10016x128xf32, #tpu.memory_space<vmem_shared>>
        tpu.enqueue_indirect_dma source(%arg13 : memref<128x128xf32, #tpu.memory_space<vmem>>) target(%dma_start3A_253 : memref<10016x128xf32, #tpu.memory_space<vmem_shared>>) offsets(%dma_start3A_250 : memref<128xi32, #tpu.memory_space<vmem>>) semaphore(%run_scoped3A_247 : memref<!tpu.dma_semaphore, #tpu.memory_space<semaphore_mem>>) {add = true}
        %dma_wait3A_254 = arith.constant 0 : i32
        %dma_wait3A_255 = tpu.memref_slice %arg11[%run_scoped3A_88, %run_scoped3A_89, %dma_wait3A_254] : memref<2x4x128xi32, #tpu.memory_space<vmem>> -> memref<1x1x128xi32, #tpu.memory_space<vmem>>
        %dma_wait3A_256 = tpu.memref_squeeze %dma_wait3A_255 : memref<1x1x128xi32, #tpu.memory_space<vmem>> -> memref<128xi32, #tpu.memory_space<vmem>>
        %dma_wait3A_257 = arith.constant 0 : i32
        %dma_wait3A_258 = arith.constant 0 : i32
        %dma_wait3A_259 = tpu.memref_slice %arg17[%dma_wait3A_257, %dma_wait3A_258] : memref<10016x128xf32, #tpu.memory_space<vmem_shared>> -> memref<10016x128xf32, #tpu.memory_space<vmem_shared>>
        tpu.wait_indirect_dma semaphore(%run_scoped3A_247 : memref<!tpu.dma_semaphore, #tpu.memory_space<semaphore_mem>>) src(%arg13 : memref<128x128xf32, #tpu.memory_space<vmem>>) dst(%dma_wait3A_259 : memref<10016x128xf32, #tpu.memory_space<vmem_shared>>)
        tpu.yield
      }) : () -> ()
      %eq3A_90 = arith.constant 0 : i32
      %eq3A_91 = arith.cmpi eq, %arg0, %eq3A_90 : i32
      %convert_element_type3A_92 = arith.extui %eq3A_91 : i1 to i32
      %cond3A_93 = arith.constant 0 : i32
      %cond3A_94 = arith.cmpi ne, %convert_element_type3A_92, %cond3A_93 : i32
      scf.if %cond3A_94 {
        %run_scoped3A_247 = arith.constant 0 : i32
        %run_scoped3A_248 = arith.constant 1 : i32
        "tpu.region"() ({
          %run_scoped3A_249 = tpu.sem_alloc : memref<!tpu.dma_semaphore, #tpu.memory_space<semaphore_mem>>
          %dma_start3A_250 = arith.constant 0 : i32
          %dma_start3A_251 = tpu.memref_slice %arg11[%run_scoped3A_247, %run_scoped3A_248, %dma_start3A_250] : memref<2x4x128xi32, #tpu.memory_space<vmem>> -> memref<1x1x128xi32, #tpu.memory_space<vmem>>
          %dma_start3A_252 = tpu.memref_squeeze %dma_start3A_251 : memref<1x1x128xi32, #tpu.memory_space<vmem>> -> memref<128xi32, #tpu.memory_space<vmem>>
          %dma_start3A_253 = arith.constant 0 : i32
          %dma_start3A_254 = arith.constant 0 : i32
          %dma_start3A_255 = tpu.memref_slice %arg18[%dma_start3A_253, %dma_start3A_254] : memref<10016x16xf32, #tpu.memory_space<vmem_shared>> -> memref<10016x16xf32, #tpu.memory_space<vmem_shared>>
          tpu.enqueue_indirect_dma source(%arg14 : memref<128x16xf32, #tpu.memory_space<vmem>>) target(%dma_start3A_255 : memref<10016x16xf32, #tpu.memory_space<vmem_shared>>) offsets(%dma_start3A_252 : memref<128xi32, #tpu.memory_space<vmem>>) semaphore(%run_scoped3A_249 : memref<!tpu.dma_semaphore, #tpu.memory_space<semaphore_mem>>) {add = true}
          %dma_wait3A_256 = arith.constant 0 : i32
          %dma_wait3A_257 = tpu.memref_slice %arg11[%run_scoped3A_247, %run_scoped3A_248, %dma_wait3A_256] : memref<2x4x128xi32, #tpu.memory_space<vmem>> -> memref<1x1x128xi32, #tpu.memory_space<vmem>>
          %dma_wait3A_258 = tpu.memref_squeeze %dma_wait3A_257 : memref<1x1x128xi32, #tpu.memory_space<vmem>> -> memref<128xi32, #tpu.memory_space<vmem>>
          %dma_wait3A_259 = arith.constant 0 : i32
          %dma_wait3A_260 = arith.constant 0 : i32
          %dma_wait3A_261 = tpu.memref_slice %arg18[%dma_wait3A_259, %dma_wait3A_260] : memref<10016x16xf32, #tpu.memory_space<vmem_shared>> -> memref<10016x16xf32, #tpu.memory_space<vmem_shared>>
          tpu.wait_indirect_dma semaphore(%run_scoped3A_249 : memref<!tpu.dma_semaphore, #tpu.memory_space<semaphore_mem>>) src(%arg14 : memref<128x16xf32, #tpu.memory_space<vmem>>) dst(%dma_wait3A_261 : memref<10016x16xf32, #tpu.memory_space<vmem_shared>>)
          tpu.yield
        }) : () -> ()
      } else {
      }
      %dma_start3A_95 = arith.constant 0 : i32
      %dma_start3A_96 = arith.constant 3 : i32
      %dma_start3A_97 = arith.constant 0 : i32
      %dma_start3A_98 = tpu.memref_slice %arg10[%dma_start3A_95, %dma_start3A_96, %dma_start3A_97] : memref<2x4x128xi32, #tpu.memory_space<vmem>> -> memref<1x1x128xi32, #tpu.memory_space<vmem>>
      %dma_start3A_99 = tpu.memref_squeeze %dma_start3A_98 : memref<1x1x128xi32, #tpu.memory_space<vmem>> -> memref<128xi32, #tpu.memory_space<vmem>>
      %dma_start3A_100 = arith.constant 0 : i32
      %dma_start3A_101 = arith.constant 0 : i32
      %dma_start3A_102 = tpu.memref_slice %arg2[%dma_start3A_100, %dma_start3A_101] : memref<20000x128xf32, #tpu.memory_space<hbm>> -> memref<20000x128xf32, #tpu.memory_space<hbm>>
      tpu.enqueue_indirect_dma source(%dma_start3A_102 : memref<20000x128xf32, #tpu.memory_space<hbm>>) target(%arg13 : memref<128x128xf32, #tpu.memory_space<vmem>>) offsets(%dma_start3A_99 : memref<128xi32, #tpu.memory_space<vmem>>) semaphore(%arg16 : memref<!tpu.dma_semaphore, #tpu.memory_space<semaphore_mem>>)
      %dma_wait3A_103 = arith.constant 0 : i32
      %dma_wait3A_104 = arith.constant 2 : i32
      %dma_wait3A_105 = arith.constant 0 : i32
      %dma_wait3A_106 = tpu.memref_slice %arg10[%dma_wait3A_103, %dma_wait3A_104, %dma_wait3A_105] : memref<2x4x128xi32, #tpu.memory_space<vmem>> -> memref<1x1x128xi32, #tpu.memory_space<vmem>>
      %dma_wait3A_107 = tpu.memref_squeeze %dma_wait3A_106 : memref<1x1x128xi32, #tpu.memory_space<vmem>> -> memref<128xi32, #tpu.memory_space<vmem>>
      %dma_wait3A_108 = arith.constant 0 : i32
      %dma_wait3A_109 = arith.constant 0 : i32
      %dma_wait3A_110 = tpu.memref_slice %arg2[%dma_wait3A_108, %dma_wait3A_109] : memref<20000x128xf32, #tpu.memory_space<hbm>> -> memref<20000x128xf32, #tpu.memory_space<hbm>>
      tpu.wait_indirect_dma semaphore(%arg15 : memref<!tpu.dma_semaphore, #tpu.memory_space<semaphore_mem>>) src(%dma_wait3A_110 : memref<20000x128xf32, #tpu.memory_space<hbm>>) dst(%arg12 : memref<128x128xf32, #tpu.memory_space<vmem>>)
      %run_scoped3A_111 = arith.constant 0 : i32
      %run_scoped3A_112 = arith.constant 2 : i32
      "tpu.region"() ({
        %run_scoped3A_247 = tpu.sem_alloc : memref<!tpu.dma_semaphore, #tpu.memory_space<semaphore_mem>>
        %dma_start3A_248 = arith.constant 0 : i32
        %dma_start3A_249 = tpu.memref_slice %arg11[%run_scoped3A_111, %run_scoped3A_112, %dma_start3A_248] : memref<2x4x128xi32, #tpu.memory_space<vmem>> -> memref<1x1x128xi32, #tpu.memory_space<vmem>>
        %dma_start3A_250 = tpu.memref_squeeze %dma_start3A_249 : memref<1x1x128xi32, #tpu.memory_space<vmem>> -> memref<128xi32, #tpu.memory_space<vmem>>
        %dma_start3A_251 = arith.constant 0 : i32
        %dma_start3A_252 = arith.constant 0 : i32
        %dma_start3A_253 = tpu.memref_slice %arg17[%dma_start3A_251, %dma_start3A_252] : memref<10016x128xf32, #tpu.memory_space<vmem_shared>> -> memref<10016x128xf32, #tpu.memory_space<vmem_shared>>
        tpu.enqueue_indirect_dma source(%arg12 : memref<128x128xf32, #tpu.memory_space<vmem>>) target(%dma_start3A_253 : memref<10016x128xf32, #tpu.memory_space<vmem_shared>>) offsets(%dma_start3A_250 : memref<128xi32, #tpu.memory_space<vmem>>) semaphore(%run_scoped3A_247 : memref<!tpu.dma_semaphore, #tpu.memory_space<semaphore_mem>>) {add = true}
        %dma_wait3A_254 = arith.constant 0 : i32
        %dma_wait3A_255 = tpu.memref_slice %arg11[%run_scoped3A_111, %run_scoped3A_112, %dma_wait3A_254] : memref<2x4x128xi32, #tpu.memory_space<vmem>> -> memref<1x1x128xi32, #tpu.memory_space<vmem>>
        %dma_wait3A_256 = tpu.memref_squeeze %dma_wait3A_255 : memref<1x1x128xi32, #tpu.memory_space<vmem>> -> memref<128xi32, #tpu.memory_space<vmem>>
        %dma_wait3A_257 = arith.constant 0 : i32
        %dma_wait3A_258 = arith.constant 0 : i32
        %dma_wait3A_259 = tpu.memref_slice %arg17[%dma_wait3A_257, %dma_wait3A_258] : memref<10016x128xf32, #tpu.memory_space<vmem_shared>> -> memref<10016x128xf32, #tpu.memory_space<vmem_shared>>
        tpu.wait_indirect_dma semaphore(%run_scoped3A_247 : memref<!tpu.dma_semaphore, #tpu.memory_space<semaphore_mem>>) src(%arg12 : memref<128x128xf32, #tpu.memory_space<vmem>>) dst(%dma_wait3A_259 : memref<10016x128xf32, #tpu.memory_space<vmem_shared>>)
        tpu.yield
      }) : () -> ()
      %eq3A_113 = arith.constant 0 : i32
      %eq3A_114 = arith.cmpi eq, %arg0, %eq3A_113 : i32
      %convert_element_type3A_115 = arith.extui %eq3A_114 : i1 to i32
      %cond3A_116 = arith.constant 0 : i32
      %cond3A_117 = arith.cmpi ne, %convert_element_type3A_115, %cond3A_116 : i32
      scf.if %cond3A_117 {
        %run_scoped3A_247 = arith.constant 0 : i32
        %run_scoped3A_248 = arith.constant 2 : i32
        "tpu.region"() ({
          %run_scoped3A_249 = tpu.sem_alloc : memref<!tpu.dma_semaphore, #tpu.memory_space<semaphore_mem>>
          %dma_start3A_250 = arith.constant 0 : i32
          %dma_start3A_251 = tpu.memref_slice %arg11[%run_scoped3A_247, %run_scoped3A_248, %dma_start3A_250] : memref<2x4x128xi32, #tpu.memory_space<vmem>> -> memref<1x1x128xi32, #tpu.memory_space<vmem>>
          %dma_start3A_252 = tpu.memref_squeeze %dma_start3A_251 : memref<1x1x128xi32, #tpu.memory_space<vmem>> -> memref<128xi32, #tpu.memory_space<vmem>>
          %dma_start3A_253 = arith.constant 0 : i32
          %dma_start3A_254 = arith.constant 0 : i32
          %dma_start3A_255 = tpu.memref_slice %arg18[%dma_start3A_253, %dma_start3A_254] : memref<10016x16xf32, #tpu.memory_space<vmem_shared>> -> memref<10016x16xf32, #tpu.memory_space<vmem_shared>>
          tpu.enqueue_indirect_dma source(%arg14 : memref<128x16xf32, #tpu.memory_space<vmem>>) target(%dma_start3A_255 : memref<10016x16xf32, #tpu.memory_space<vmem_shared>>) offsets(%dma_start3A_252 : memref<128xi32, #tpu.memory_space<vmem>>) semaphore(%run_scoped3A_249 : memref<!tpu.dma_semaphore, #tpu.memory_space<semaphore_mem>>) {add = true}
          %dma_wait3A_256 = arith.constant 0 : i32
          %dma_wait3A_257 = tpu.memref_slice %arg11[%run_scoped3A_247, %run_scoped3A_248, %dma_wait3A_256] : memref<2x4x128xi32, #tpu.memory_space<vmem>> -> memref<1x1x128xi32, #tpu.memory_space<vmem>>
          %dma_wait3A_258 = tpu.memref_squeeze %dma_wait3A_257 : memref<1x1x128xi32, #tpu.memory_space<vmem>> -> memref<128xi32, #tpu.memory_space<vmem>>
          %dma_wait3A_259 = arith.constant 0 : i32
          %dma_wait3A_260 = arith.constant 0 : i32
          %dma_wait3A_261 = tpu.memref_slice %arg18[%dma_wait3A_259, %dma_wait3A_260] : memref<10016x16xf32, #tpu.memory_space<vmem_shared>> -> memref<10016x16xf32, #tpu.memory_space<vmem_shared>>
          tpu.wait_indirect_dma semaphore(%run_scoped3A_249 : memref<!tpu.dma_semaphore, #tpu.memory_space<semaphore_mem>>) src(%arg14 : memref<128x16xf32, #tpu.memory_space<vmem>>) dst(%dma_wait3A_261 : memref<10016x16xf32, #tpu.memory_space<vmem_shared>>)
          tpu.yield
        }) : () -> ()
      } else {
      }
      %dma_start3A_118 = arith.constant 1 : i32
      %dma_start3A_119 = arith.constant 0 : i32
      %dma_start3A_120 = arith.constant 0 : i32
      %dma_start3A_121 = tpu.memref_slice %arg10[%dma_start3A_118, %dma_start3A_119, %dma_start3A_120] : memref<2x4x128xi32, #tpu.memory_space<vmem>> -> memref<1x1x128xi32, #tpu.memory_space<vmem>>
      %dma_start3A_122 = tpu.memref_squeeze %dma_start3A_121 : memref<1x1x128xi32, #tpu.memory_space<vmem>> -> memref<128xi32, #tpu.memory_space<vmem>>
      %dma_start3A_123 = arith.constant 0 : i32
      %dma_start3A_124 = arith.constant 0 : i32
      %dma_start3A_125 = tpu.memref_slice %arg2[%dma_start3A_123, %dma_start3A_124] : memref<20000x128xf32, #tpu.memory_space<hbm>> -> memref<20000x128xf32, #tpu.memory_space<hbm>>
      tpu.enqueue_indirect_dma source(%dma_start3A_125 : memref<20000x128xf32, #tpu.memory_space<hbm>>) target(%arg12 : memref<128x128xf32, #tpu.memory_space<vmem>>) offsets(%dma_start3A_122 : memref<128xi32, #tpu.memory_space<vmem>>) semaphore(%arg15 : memref<!tpu.dma_semaphore, #tpu.memory_space<semaphore_mem>>)
      %dma_wait3A_126 = arith.constant 0 : i32
      %dma_wait3A_127 = arith.constant 3 : i32
      %dma_wait3A_128 = arith.constant 0 : i32
      %dma_wait3A_129 = tpu.memref_slice %arg10[%dma_wait3A_126, %dma_wait3A_127, %dma_wait3A_128] : memref<2x4x128xi32, #tpu.memory_space<vmem>> -> memref<1x1x128xi32, #tpu.memory_space<vmem>>
      %dma_wait3A_130 = tpu.memref_squeeze %dma_wait3A_129 : memref<1x1x128xi32, #tpu.memory_space<vmem>> -> memref<128xi32, #tpu.memory_space<vmem>>
      %dma_wait3A_131 = arith.constant 0 : i32
      %dma_wait3A_132 = arith.constant 0 : i32
      %dma_wait3A_133 = tpu.memref_slice %arg2[%dma_wait3A_131, %dma_wait3A_132] : memref<20000x128xf32, #tpu.memory_space<hbm>> -> memref<20000x128xf32, #tpu.memory_space<hbm>>
      tpu.wait_indirect_dma semaphore(%arg16 : memref<!tpu.dma_semaphore, #tpu.memory_space<semaphore_mem>>) src(%dma_wait3A_133 : memref<20000x128xf32, #tpu.memory_space<hbm>>) dst(%arg13 : memref<128x128xf32, #tpu.memory_space<vmem>>)
      %run_scoped3A_134 = arith.constant 0 : i32
      %run_scoped3A_135 = arith.constant 3 : i32
      "tpu.region"() ({
        %run_scoped3A_247 = tpu.sem_alloc : memref<!tpu.dma_semaphore, #tpu.memory_space<semaphore_mem>>
        %dma_start3A_248 = arith.constant 0 : i32
        %dma_start3A_249 = tpu.memref_slice %arg11[%run_scoped3A_134, %run_scoped3A_135, %dma_start3A_248] : memref<2x4x128xi32, #tpu.memory_space<vmem>> -> memref<1x1x128xi32, #tpu.memory_space<vmem>>
        %dma_start3A_250 = tpu.memref_squeeze %dma_start3A_249 : memref<1x1x128xi32, #tpu.memory_space<vmem>> -> memref<128xi32, #tpu.memory_space<vmem>>
        %dma_start3A_251 = arith.constant 0 : i32
        %dma_start3A_252 = arith.constant 0 : i32
        %dma_start3A_253 = tpu.memref_slice %arg17[%dma_start3A_251, %dma_start3A_252] : memref<10016x128xf32, #tpu.memory_space<vmem_shared>> -> memref<10016x128xf32, #tpu.memory_space<vmem_shared>>
        tpu.enqueue_indirect_dma source(%arg13 : memref<128x128xf32, #tpu.memory_space<vmem>>) target(%dma_start3A_253 : memref<10016x128xf32, #tpu.memory_space<vmem_shared>>) offsets(%dma_start3A_250 : memref<128xi32, #tpu.memory_space<vmem>>) semaphore(%run_scoped3A_247 : memref<!tpu.dma_semaphore, #tpu.memory_space<semaphore_mem>>) {add = true}
        %dma_wait3A_254 = arith.constant 0 : i32
        %dma_wait3A_255 = tpu.memref_slice %arg11[%run_scoped3A_134, %run_scoped3A_135, %dma_wait3A_254] : memref<2x4x128xi32, #tpu.memory_space<vmem>> -> memref<1x1x128xi32, #tpu.memory_space<vmem>>
        %dma_wait3A_256 = tpu.memref_squeeze %dma_wait3A_255 : memref<1x1x128xi32, #tpu.memory_space<vmem>> -> memref<128xi32, #tpu.memory_space<vmem>>
        %dma_wait3A_257 = arith.constant 0 : i32
        %dma_wait3A_258 = arith.constant 0 : i32
        %dma_wait3A_259 = tpu.memref_slice %arg17[%dma_wait3A_257, %dma_wait3A_258] : memref<10016x128xf32, #tpu.memory_space<vmem_shared>> -> memref<10016x128xf32, #tpu.memory_space<vmem_shared>>
        tpu.wait_indirect_dma semaphore(%run_scoped3A_247 : memref<!tpu.dma_semaphore, #tpu.memory_space<semaphore_mem>>) src(%arg13 : memref<128x128xf32, #tpu.memory_space<vmem>>) dst(%dma_wait3A_259 : memref<10016x128xf32, #tpu.memory_space<vmem_shared>>)
        tpu.yield
      }) : () -> ()
      %eq3A_136 = arith.constant 0 : i32
      %eq3A_137 = arith.cmpi eq, %arg0, %eq3A_136 : i32
      %convert_element_type3A_138 = arith.extui %eq3A_137 : i1 to i32
      %cond3A_139 = arith.constant 0 : i32
      %cond3A_140 = arith.cmpi ne, %convert_element_type3A_138, %cond3A_139 : i32
      scf.if %cond3A_140 {
        %run_scoped3A_247 = arith.constant 0 : i32
        %run_scoped3A_248 = arith.constant 3 : i32
        "tpu.region"() ({
          %run_scoped3A_249 = tpu.sem_alloc : memref<!tpu.dma_semaphore, #tpu.memory_space<semaphore_mem>>
          %dma_start3A_250 = arith.constant 0 : i32
          %dma_start3A_251 = tpu.memref_slice %arg11[%run_scoped3A_247, %run_scoped3A_248, %dma_start3A_250] : memref<2x4x128xi32, #tpu.memory_space<vmem>> -> memref<1x1x128xi32, #tpu.memory_space<vmem>>
          %dma_start3A_252 = tpu.memref_squeeze %dma_start3A_251 : memref<1x1x128xi32, #tpu.memory_space<vmem>> -> memref<128xi32, #tpu.memory_space<vmem>>
          %dma_start3A_253 = arith.constant 0 : i32
          %dma_start3A_254 = arith.constant 0 : i32
          %dma_start3A_255 = tpu.memref_slice %arg18[%dma_start3A_253, %dma_start3A_254] : memref<10016x16xf32, #tpu.memory_space<vmem_shared>> -> memref<10016x16xf32, #tpu.memory_space<vmem_shared>>
          tpu.enqueue_indirect_dma source(%arg14 : memref<128x16xf32, #tpu.memory_space<vmem>>) target(%dma_start3A_255 : memref<10016x16xf32, #tpu.memory_space<vmem_shared>>) offsets(%dma_start3A_252 : memref<128xi32, #tpu.memory_space<vmem>>) semaphore(%run_scoped3A_249 : memref<!tpu.dma_semaphore, #tpu.memory_space<semaphore_mem>>) {add = true}
          %dma_wait3A_256 = arith.constant 0 : i32
          %dma_wait3A_257 = tpu.memref_slice %arg11[%run_scoped3A_247, %run_scoped3A_248, %dma_wait3A_256] : memref<2x4x128xi32, #tpu.memory_space<vmem>> -> memref<1x1x128xi32, #tpu.memory_space<vmem>>
          %dma_wait3A_258 = tpu.memref_squeeze %dma_wait3A_257 : memref<1x1x128xi32, #tpu.memory_space<vmem>> -> memref<128xi32, #tpu.memory_space<vmem>>
          %dma_wait3A_259 = arith.constant 0 : i32
          %dma_wait3A_260 = arith.constant 0 : i32
          %dma_wait3A_261 = tpu.memref_slice %arg18[%dma_wait3A_259, %dma_wait3A_260] : memref<10016x16xf32, #tpu.memory_space<vmem_shared>> -> memref<10016x16xf32, #tpu.memory_space<vmem_shared>>
          tpu.wait_indirect_dma semaphore(%run_scoped3A_249 : memref<!tpu.dma_semaphore, #tpu.memory_space<semaphore_mem>>) src(%arg14 : memref<128x16xf32, #tpu.memory_space<vmem>>) dst(%dma_wait3A_261 : memref<10016x16xf32, #tpu.memory_space<vmem_shared>>)
          tpu.yield
        }) : () -> ()
      } else {
      }
      %mul3A_141 = arith.constant 2 : i32
      %mul3A_142 = arith.muli %mul3A_141, %scan3A_34 : i32
      %add3A_143 = arith.constant 1 : i32
      %add3A_144 = arith.addi %mul3A_142, %add3A_143 : i32
      %add3A_145 = arith.constant 1 : i32
      %add3A_146 = arith.addi %add3A_144, %add3A_145 : i32
      %mul3A_147 = arith.constant 4 : i32
      %mul3A_148 = arith.muli %add3A_146, %mul3A_147 : i32
      %add3A_149 = arith.addi %mul3A_2, %mul3A_148 : i32
      %run_scoped3A_150 = arith.constant 0 : i32
      "tpu.region"() ({
        %run_scoped3A_247 = tpu.sem_alloc : memref<!tpu.dma_semaphore, #tpu.memory_space<semaphore_mem>>
        %dma_start3A_248 = arith.constant 0 : i32
        %dma_start3A_249 = arith.constant 0 : i32
        %dma_start3A_250 = tpu.memref_slice %arg10[%run_scoped3A_150, %dma_start3A_248, %dma_start3A_249] : memref<2x4x128xi32, #tpu.memory_space<vmem>> -> memref<1x4x128xi32, #tpu.memory_space<vmem>>
        %dma_start3A_251 = tpu.memref_squeeze %dma_start3A_250 : memref<1x4x128xi32, #tpu.memory_space<vmem>> -> memref<4x128xi32, #tpu.memory_space<vmem>>
        %dma_start3A_252 = arith.constant 0 : i32
        %dma_start3A_253 = tpu.memref_slice %arg3[%arg0, %add3A_149, %dma_start3A_252] : memref<2x1284x128xi32, #tpu.memory_space<hbm>> -> memref<1x4x128xi32, #tpu.memory_space<hbm>>
        %dma_start3A_254 = tpu.memref_squeeze %dma_start3A_253 : memref<1x4x128xi32, #tpu.memory_space<hbm>> -> memref<4x128xi32, #tpu.memory_space<hbm>>
        %dma_start3A_255 = arith.constant 0 : i32
        %dma_start3A_256 = arith.constant 0 : i32
        %dma_start3A_257 = tpu.memref_slice %arg10[%run_scoped3A_150, %dma_start3A_255, %dma_start3A_256] : memref<2x4x128xi32, #tpu.memory_space<vmem>> -> memref<1x4x128xi32, #tpu.memory_space<vmem>>
        %dma_start3A_258 = tpu.memref_squeeze %dma_start3A_257 : memref<1x4x128xi32, #tpu.memory_space<vmem>> -> memref<4x128xi32, #tpu.memory_space<vmem>>
        %dma_start3A_259 = arith.constant 0 : i32
        %dma_start3A_260 = tpu.memref_slice %arg3[%arg0, %add3A_149, %dma_start3A_259] : memref<2x1284x128xi32, #tpu.memory_space<hbm>> -> memref<1x4x128xi32, #tpu.memory_space<hbm>>
        %dma_start3A_261 = tpu.memref_squeeze %dma_start3A_260 : memref<1x4x128xi32, #tpu.memory_space<hbm>> -> memref<4x128xi32, #tpu.memory_space<hbm>>
        tpu.enqueue_dma source(%dma_start3A_261 : memref<4x128xi32, #tpu.memory_space<hbm>>) target(%dma_start3A_258 : memref<4x128xi32, #tpu.memory_space<vmem>>) target_semaphore(%run_scoped3A_247 : memref<!tpu.dma_semaphore, #tpu.memory_space<semaphore_mem>>)
        %dma_wait3A_262 = arith.constant 0 : i32
        %dma_wait3A_263 = arith.constant 0 : i32
        %dma_wait3A_264 = tpu.memref_slice %arg10[%run_scoped3A_150, %dma_wait3A_262, %dma_wait3A_263] : memref<2x4x128xi32, #tpu.memory_space<vmem>> -> memref<1x4x128xi32, #tpu.memory_space<vmem>>
        %dma_wait3A_265 = tpu.memref_squeeze %dma_wait3A_264 : memref<1x4x128xi32, #tpu.memory_space<vmem>> -> memref<4x128xi32, #tpu.memory_space<vmem>>
        %dma_wait3A_266 = arith.constant 0 : i32
        %dma_wait3A_267 = tpu.memref_slice %arg3[%arg0, %add3A_149, %dma_wait3A_266] : memref<2x1284x128xi32, #tpu.memory_space<hbm>> -> memref<1x4x128xi32, #tpu.memory_space<hbm>>
        %dma_wait3A_268 = tpu.memref_squeeze %dma_wait3A_267 : memref<1x4x128xi32, #tpu.memory_space<hbm>> -> memref<4x128xi32, #tpu.memory_space<hbm>>
        %dma_wait3A_269 = arith.constant 0 : i32
        %dma_wait3A_270 = arith.constant 0 : i32
        %dma_wait3A_271 = tpu.memref_slice %arg10[%run_scoped3A_150, %dma_wait3A_269, %dma_wait3A_270] : memref<2x4x128xi32, #tpu.memory_space<vmem>> -> memref<1x4x128xi32, #tpu.memory_space<vmem>>
        %dma_wait3A_272 = tpu.memref_squeeze %dma_wait3A_271 : memref<1x4x128xi32, #tpu.memory_space<vmem>> -> memref<4x128xi32, #tpu.memory_space<vmem>>
        %dma_wait3A_273 = arith.constant 0 : i32
        %dma_wait3A_274 = tpu.memref_slice %arg3[%arg0, %add3A_149, %dma_wait3A_273] : memref<2x1284x128xi32, #tpu.memory_space<hbm>> -> memref<1x4x128xi32, #tpu.memory_space<hbm>>
        %dma_wait3A_275 = tpu.memref_squeeze %dma_wait3A_274 : memref<1x4x128xi32, #tpu.memory_space<hbm>> -> memref<4x128xi32, #tpu.memory_space<hbm>>
        tpu.wait_dma2 semaphore(%run_scoped3A_247 : memref<!tpu.dma_semaphore, #tpu.memory_space<semaphore_mem>>) src(%dma_wait3A_275 : memref<4x128xi32, #tpu.memory_space<hbm>>) dst(%dma_wait3A_272 : memref<4x128xi32, #tpu.memory_space<vmem>>)
        tpu.yield
      }) : () -> ()
      %mul3A_151 = arith.constant 4 : i32
      %mul3A_152 = arith.muli %add3A_146, %mul3A_151 : i32
      %add3A_153 = arith.addi %mul3A_2, %mul3A_152 : i32
      %run_scoped3A_154 = arith.constant 0 : i32
      "tpu.region"() ({
        %run_scoped3A_247 = tpu.sem_alloc : memref<!tpu.dma_semaphore, #tpu.memory_space<semaphore_mem>>
        %dma_start3A_248 = arith.constant 0 : i32
        %dma_start3A_249 = arith.constant 0 : i32
        %dma_start3A_250 = tpu.memref_slice %arg11[%run_scoped3A_154, %dma_start3A_248, %dma_start3A_249] : memref<2x4x128xi32, #tpu.memory_space<vmem>> -> memref<1x4x128xi32, #tpu.memory_space<vmem>>
        %dma_start3A_251 = tpu.memref_squeeze %dma_start3A_250 : memref<1x4x128xi32, #tpu.memory_space<vmem>> -> memref<4x128xi32, #tpu.memory_space<vmem>>
        %dma_start3A_252 = arith.constant 0 : i32
        %dma_start3A_253 = tpu.memref_slice %arg4[%add3A_153, %dma_start3A_252] : memref<1284x128xi32, #tpu.memory_space<hbm>> -> memref<4x128xi32, #tpu.memory_space<hbm>>
        %dma_start3A_254 = arith.constant 0 : i32
        %dma_start3A_255 = arith.constant 0 : i32
        %dma_start3A_256 = tpu.memref_slice %arg11[%run_scoped3A_154, %dma_start3A_254, %dma_start3A_255] : memref<2x4x128xi32, #tpu.memory_space<vmem>> -> memref<1x4x128xi32, #tpu.memory_space<vmem>>
        %dma_start3A_257 = tpu.memref_squeeze %dma_start3A_256 : memref<1x4x128xi32, #tpu.memory_space<vmem>> -> memref<4x128xi32, #tpu.memory_space<vmem>>
        %dma_start3A_258 = arith.constant 0 : i32
        %dma_start3A_259 = tpu.memref_slice %arg4[%add3A_153, %dma_start3A_258] : memref<1284x128xi32, #tpu.memory_space<hbm>> -> memref<4x128xi32, #tpu.memory_space<hbm>>
        tpu.enqueue_dma source(%dma_start3A_259 : memref<4x128xi32, #tpu.memory_space<hbm>>) target(%dma_start3A_257 : memref<4x128xi32, #tpu.memory_space<vmem>>) target_semaphore(%run_scoped3A_247 : memref<!tpu.dma_semaphore, #tpu.memory_space<semaphore_mem>>)
        %dma_wait3A_260 = arith.constant 0 : i32
        %dma_wait3A_261 = arith.constant 0 : i32
        %dma_wait3A_262 = tpu.memref_slice %arg11[%run_scoped3A_154, %dma_wait3A_260, %dma_wait3A_261] : memref<2x4x128xi32, #tpu.memory_space<vmem>> -> memref<1x4x128xi32, #tpu.memory_space<vmem>>
        %dma_wait3A_263 = tpu.memref_squeeze %dma_wait3A_262 : memref<1x4x128xi32, #tpu.memory_space<vmem>> -> memref<4x128xi32, #tpu.memory_space<vmem>>
        %dma_wait3A_264 = arith.constant 0 : i32
        %dma_wait3A_265 = tpu.memref_slice %arg4[%add3A_153, %dma_wait3A_264] : memref<1284x128xi32, #tpu.memory_space<hbm>> -> memref<4x128xi32, #tpu.memory_space<hbm>>
        %dma_wait3A_266 = arith.constant 0 : i32
        %dma_wait3A_267 = arith.constant 0 : i32
        %dma_wait3A_268 = tpu.memref_slice %arg11[%run_scoped3A_154, %dma_wait3A_266, %dma_wait3A_267] : memref<2x4x128xi32, #tpu.memory_space<vmem>> -> memref<1x4x128xi32, #tpu.memory_space<vmem>>
        %dma_wait3A_269 = tpu.memref_squeeze %dma_wait3A_268 : memref<1x4x128xi32, #tpu.memory_space<vmem>> -> memref<4x128xi32, #tpu.memory_space<vmem>>
        %dma_wait3A_270 = arith.constant 0 : i32
        %dma_wait3A_271 = tpu.memref_slice %arg4[%add3A_153, %dma_wait3A_270] : memref<1284x128xi32, #tpu.memory_space<hbm>> -> memref<4x128xi32, #tpu.memory_space<hbm>>
        tpu.wait_dma2 semaphore(%run_scoped3A_247 : memref<!tpu.dma_semaphore, #tpu.memory_space<semaphore_mem>>) src(%dma_wait3A_271 : memref<4x128xi32, #tpu.memory_space<hbm>>) dst(%dma_wait3A_269 : memref<4x128xi32, #tpu.memory_space<vmem>>)
        tpu.yield
      }) : () -> ()
      %dma_start3A_155 = arith.constant 1 : i32
      %dma_start3A_156 = arith.constant 1 : i32
      %dma_start3A_157 = arith.constant 0 : i32
      %dma_start3A_158 = tpu.memref_slice %arg10[%dma_start3A_155, %dma_start3A_156, %dma_start3A_157] : memref<2x4x128xi32, #tpu.memory_space<vmem>> -> memref<1x1x128xi32, #tpu.memory_space<vmem>>
      %dma_start3A_159 = tpu.memref_squeeze %dma_start3A_158 : memref<1x1x128xi32, #tpu.memory_space<vmem>> -> memref<128xi32, #tpu.memory_space<vmem>>
      %dma_start3A_160 = arith.constant 0 : i32
      %dma_start3A_161 = arith.constant 0 : i32
      %dma_start3A_162 = tpu.memref_slice %arg2[%dma_start3A_160, %dma_start3A_161] : memref<20000x128xf32, #tpu.memory_space<hbm>> -> memref<20000x128xf32, #tpu.memory_space<hbm>>
      tpu.enqueue_indirect_dma source(%dma_start3A_162 : memref<20000x128xf32, #tpu.memory_space<hbm>>) target(%arg13 : memref<128x128xf32, #tpu.memory_space<vmem>>) offsets(%dma_start3A_159 : memref<128xi32, #tpu.memory_space<vmem>>) semaphore(%arg16 : memref<!tpu.dma_semaphore, #tpu.memory_space<semaphore_mem>>)
      %dma_wait3A_163 = arith.constant 1 : i32
      %dma_wait3A_164 = arith.constant 0 : i32
      %dma_wait3A_165 = arith.constant 0 : i32
      %dma_wait3A_166 = tpu.memref_slice %arg10[%dma_wait3A_163, %dma_wait3A_164, %dma_wait3A_165] : memref<2x4x128xi32, #tpu.memory_space<vmem>> -> memref<1x1x128xi32, #tpu.memory_space<vmem>>
      %dma_wait3A_167 = tpu.memref_squeeze %dma_wait3A_166 : memref<1x1x128xi32, #tpu.memory_space<vmem>> -> memref<128xi32, #tpu.memory_space<vmem>>
      %dma_wait3A_168 = arith.constant 0 : i32
      %dma_wait3A_169 = arith.constant 0 : i32
      %dma_wait3A_170 = tpu.memref_slice %arg2[%dma_wait3A_168, %dma_wait3A_169] : memref<20000x128xf32, #tpu.memory_space<hbm>> -> memref<20000x128xf32, #tpu.memory_space<hbm>>
      tpu.wait_indirect_dma semaphore(%arg15 : memref<!tpu.dma_semaphore, #tpu.memory_space<semaphore_mem>>) src(%dma_wait3A_170 : memref<20000x128xf32, #tpu.memory_space<hbm>>) dst(%arg12 : memref<128x128xf32, #tpu.memory_space<vmem>>)
      %run_scoped3A_171 = arith.constant 1 : i32
      %run_scoped3A_172 = arith.constant 0 : i32
      "tpu.region"() ({
        %run_scoped3A_247 = tpu.sem_alloc : memref<!tpu.dma_semaphore, #tpu.memory_space<semaphore_mem>>
        %dma_start3A_248 = arith.constant 0 : i32
        %dma_start3A_249 = tpu.memref_slice %arg11[%run_scoped3A_171, %run_scoped3A_172, %dma_start3A_248] : memref<2x4x128xi32, #tpu.memory_space<vmem>> -> memref<1x1x128xi32, #tpu.memory_space<vmem>>
        %dma_start3A_250 = tpu.memref_squeeze %dma_start3A_249 : memref<1x1x128xi32, #tpu.memory_space<vmem>> -> memref<128xi32, #tpu.memory_space<vmem>>
        %dma_start3A_251 = arith.constant 0 : i32
        %dma_start3A_252 = arith.constant 0 : i32
        %dma_start3A_253 = tpu.memref_slice %arg17[%dma_start3A_251, %dma_start3A_252] : memref<10016x128xf32, #tpu.memory_space<vmem_shared>> -> memref<10016x128xf32, #tpu.memory_space<vmem_shared>>
        tpu.enqueue_indirect_dma source(%arg12 : memref<128x128xf32, #tpu.memory_space<vmem>>) target(%dma_start3A_253 : memref<10016x128xf32, #tpu.memory_space<vmem_shared>>) offsets(%dma_start3A_250 : memref<128xi32, #tpu.memory_space<vmem>>) semaphore(%run_scoped3A_247 : memref<!tpu.dma_semaphore, #tpu.memory_space<semaphore_mem>>) {add = true}
        %dma_wait3A_254 = arith.constant 0 : i32
        %dma_wait3A_255 = tpu.memref_slice %arg11[%run_scoped3A_171, %run_scoped3A_172, %dma_wait3A_254] : memref<2x4x128xi32, #tpu.memory_space<vmem>> -> memref<1x1x128xi32, #tpu.memory_space<vmem>>
        %dma_wait3A_256 = tpu.memref_squeeze %dma_wait3A_255 : memref<1x1x128xi32, #tpu.memory_space<vmem>> -> memref<128xi32, #tpu.memory_space<vmem>>
        %dma_wait3A_257 = arith.constant 0 : i32
        %dma_wait3A_258 = arith.constant 0 : i32
        %dma_wait3A_259 = tpu.memref_slice %arg17[%dma_wait3A_257, %dma_wait3A_258] : memref<10016x128xf32, #tpu.memory_space<vmem_shared>> -> memref<10016x128xf32, #tpu.memory_space<vmem_shared>>
        tpu.wait_indirect_dma semaphore(%run_scoped3A_247 : memref<!tpu.dma_semaphore, #tpu.memory_space<semaphore_mem>>) src(%arg12 : memref<128x128xf32, #tpu.memory_space<vmem>>) dst(%dma_wait3A_259 : memref<10016x128xf32, #tpu.memory_space<vmem_shared>>)
        tpu.yield
      }) : () -> ()
      %eq3A_173 = arith.constant 0 : i32
      %eq3A_174 = arith.cmpi eq, %arg0, %eq3A_173 : i32
      %convert_element_type3A_175 = arith.extui %eq3A_174 : i1 to i32
      %cond3A_176 = arith.constant 0 : i32
      %cond3A_177 = arith.cmpi ne, %convert_element_type3A_175, %cond3A_176 : i32
      scf.if %cond3A_177 {
        %run_scoped3A_247 = arith.constant 1 : i32
        %run_scoped3A_248 = arith.constant 0 : i32
        "tpu.region"() ({
          %run_scoped3A_249 = tpu.sem_alloc : memref<!tpu.dma_semaphore, #tpu.memory_space<semaphore_mem>>
          %dma_start3A_250 = arith.constant 0 : i32
          %dma_start3A_251 = tpu.memref_slice %arg11[%run_scoped3A_247, %run_scoped3A_248, %dma_start3A_250] : memref<2x4x128xi32, #tpu.memory_space<vmem>> -> memref<1x1x128xi32, #tpu.memory_space<vmem>>
          %dma_start3A_252 = tpu.memref_squeeze %dma_start3A_251 : memref<1x1x128xi32, #tpu.memory_space<vmem>> -> memref<128xi32, #tpu.memory_space<vmem>>
          %dma_start3A_253 = arith.constant 0 : i32
          %dma_start3A_254 = arith.constant 0 : i32
          %dma_start3A_255 = tpu.memref_slice %arg18[%dma_start3A_253, %dma_start3A_254] : memref<10016x16xf32, #tpu.memory_space<vmem_shared>> -> memref<10016x16xf32, #tpu.memory_space<vmem_shared>>
          tpu.enqueue_indirect_dma source(%arg14 : memref<128x16xf32, #tpu.memory_space<vmem>>) target(%dma_start3A_255 : memref<10016x16xf32, #tpu.memory_space<vmem_shared>>) offsets(%dma_start3A_252 : memref<128xi32, #tpu.memory_space<vmem>>) semaphore(%run_scoped3A_249 : memref<!tpu.dma_semaphore, #tpu.memory_space<semaphore_mem>>) {add = true}
          %dma_wait3A_256 = arith.constant 0 : i32
          %dma_wait3A_257 = tpu.memref_slice %arg11[%run_scoped3A_247, %run_scoped3A_248, %dma_wait3A_256] : memref<2x4x128xi32, #tpu.memory_space<vmem>> -> memref<1x1x128xi32, #tpu.memory_space<vmem>>
          %dma_wait3A_258 = tpu.memref_squeeze %dma_wait3A_257 : memref<1x1x128xi32, #tpu.memory_space<vmem>> -> memref<128xi32, #tpu.memory_space<vmem>>
          %dma_wait3A_259 = arith.constant 0 : i32
          %dma_wait3A_260 = arith.constant 0 : i32
          %dma_wait3A_261 = tpu.memref_slice %arg18[%dma_wait3A_259, %dma_wait3A_260] : memref<10016x16xf32, #tpu.memory_space<vmem_shared>> -> memref<10016x16xf32, #tpu.memory_space<vmem_shared>>
          tpu.wait_indirect_dma semaphore(%run_scoped3A_249 : memref<!tpu.dma_semaphore, #tpu.memory_space<semaphore_mem>>) src(%arg14 : memref<128x16xf32, #tpu.memory_space<vmem>>) dst(%dma_wait3A_261 : memref<10016x16xf32, #tpu.memory_space<vmem_shared>>)
          tpu.yield
        }) : () -> ()
      } else {
      }
      %dma_start3A_178 = arith.constant 1 : i32
      %dma_start3A_179 = arith.constant 2 : i32
      %dma_start3A_180 = arith.constant 0 : i32
      %dma_start3A_181 = tpu.memref_slice %arg10[%dma_start3A_178, %dma_start3A_179, %dma_start3A_180] : memref<2x4x128xi32, #tpu.memory_space<vmem>> -> memref<1x1x128xi32, #tpu.memory_space<vmem>>
      %dma_start3A_182 = tpu.memref_squeeze %dma_start3A_181 : memref<1x1x128xi32, #tpu.memory_space<vmem>> -> memref<128xi32, #tpu.memory_space<vmem>>
      %dma_start3A_183 = arith.constant 0 : i32
      %dma_start3A_184 = arith.constant 0 : i32
      %dma_start3A_185 = tpu.memref_slice %arg2[%dma_start3A_183, %dma_start3A_184] : memref<20000x128xf32, #tpu.memory_space<hbm>> -> memref<20000x128xf32, #tpu.memory_space<hbm>>
      tpu.enqueue_indirect_dma source(%dma_start3A_185 : memref<20000x128xf32, #tpu.memory_space<hbm>>) target(%arg12 : memref<128x128xf32, #tpu.memory_space<vmem>>) offsets(%dma_start3A_182 : memref<128xi32, #tpu.memory_space<vmem>>) semaphore(%arg15 : memref<!tpu.dma_semaphore, #tpu.memory_space<semaphore_mem>>)
      %dma_wait3A_186 = arith.constant 1 : i32
      %dma_wait3A_187 = arith.constant 1 : i32
      %dma_wait3A_188 = arith.constant 0 : i32
      %dma_wait3A_189 = tpu.memref_slice %arg10[%dma_wait3A_186, %dma_wait3A_187, %dma_wait3A_188] : memref<2x4x128xi32, #tpu.memory_space<vmem>> -> memref<1x1x128xi32, #tpu.memory_space<vmem>>
      %dma_wait3A_190 = tpu.memref_squeeze %dma_wait3A_189 : memref<1x1x128xi32, #tpu.memory_space<vmem>> -> memref<128xi32, #tpu.memory_space<vmem>>
      %dma_wait3A_191 = arith.constant 0 : i32
      %dma_wait3A_192 = arith.constant 0 : i32
      %dma_wait3A_193 = tpu.memref_slice %arg2[%dma_wait3A_191, %dma_wait3A_192] : memref<20000x128xf32, #tpu.memory_space<hbm>> -> memref<20000x128xf32, #tpu.memory_space<hbm>>
      tpu.wait_indirect_dma semaphore(%arg16 : memref<!tpu.dma_semaphore, #tpu.memory_space<semaphore_mem>>) src(%dma_wait3A_193 : memref<20000x128xf32, #tpu.memory_space<hbm>>) dst(%arg13 : memref<128x128xf32, #tpu.memory_space<vmem>>)
      %run_scoped3A_194 = arith.constant 1 : i32
      %run_scoped3A_195 = arith.constant 1 : i32
      "tpu.region"() ({
        %run_scoped3A_247 = tpu.sem_alloc : memref<!tpu.dma_semaphore, #tpu.memory_space<semaphore_mem>>
        %dma_start3A_248 = arith.constant 0 : i32
        %dma_start3A_249 = tpu.memref_slice %arg11[%run_scoped3A_194, %run_scoped3A_195, %dma_start3A_248] : memref<2x4x128xi32, #tpu.memory_space<vmem>> -> memref<1x1x128xi32, #tpu.memory_space<vmem>>
        %dma_start3A_250 = tpu.memref_squeeze %dma_start3A_249 : memref<1x1x128xi32, #tpu.memory_space<vmem>> -> memref<128xi32, #tpu.memory_space<vmem>>
        %dma_start3A_251 = arith.constant 0 : i32
        %dma_start3A_252 = arith.constant 0 : i32
        %dma_start3A_253 = tpu.memref_slice %arg17[%dma_start3A_251, %dma_start3A_252] : memref<10016x128xf32, #tpu.memory_space<vmem_shared>> -> memref<10016x128xf32, #tpu.memory_space<vmem_shared>>
        tpu.enqueue_indirect_dma source(%arg13 : memref<128x128xf32, #tpu.memory_space<vmem>>) target(%dma_start3A_253 : memref<10016x128xf32, #tpu.memory_space<vmem_shared>>) offsets(%dma_start3A_250 : memref<128xi32, #tpu.memory_space<vmem>>) semaphore(%run_scoped3A_247 : memref<!tpu.dma_semaphore, #tpu.memory_space<semaphore_mem>>) {add = true}
        %dma_wait3A_254 = arith.constant 0 : i32
        %dma_wait3A_255 = tpu.memref_slice %arg11[%run_scoped3A_194, %run_scoped3A_195, %dma_wait3A_254] : memref<2x4x128xi32, #tpu.memory_space<vmem>> -> memref<1x1x128xi32, #tpu.memory_space<vmem>>
        %dma_wait3A_256 = tpu.memref_squeeze %dma_wait3A_255 : memref<1x1x128xi32, #tpu.memory_space<vmem>> -> memref<128xi32, #tpu.memory_space<vmem>>
        %dma_wait3A_257 = arith.constant 0 : i32
        %dma_wait3A_258 = arith.constant 0 : i32
        %dma_wait3A_259 = tpu.memref_slice %arg17[%dma_wait3A_257, %dma_wait3A_258] : memref<10016x128xf32, #tpu.memory_space<vmem_shared>> -> memref<10016x128xf32, #tpu.memory_space<vmem_shared>>
        tpu.wait_indirect_dma semaphore(%run_scoped3A_247 : memref<!tpu.dma_semaphore, #tpu.memory_space<semaphore_mem>>) src(%arg13 : memref<128x128xf32, #tpu.memory_space<vmem>>) dst(%dma_wait3A_259 : memref<10016x128xf32, #tpu.memory_space<vmem_shared>>)
        tpu.yield
      }) : () -> ()
      %eq3A_196 = arith.constant 0 : i32
      %eq3A_197 = arith.cmpi eq, %arg0, %eq3A_196 : i32
      %convert_element_type3A_198 = arith.extui %eq3A_197 : i1 to i32
      %cond3A_199 = arith.constant 0 : i32
      %cond3A_200 = arith.cmpi ne, %convert_element_type3A_198, %cond3A_199 : i32
      scf.if %cond3A_200 {
        %run_scoped3A_247 = arith.constant 1 : i32
        %run_scoped3A_248 = arith.constant 1 : i32
        "tpu.region"() ({
          %run_scoped3A_249 = tpu.sem_alloc : memref<!tpu.dma_semaphore, #tpu.memory_space<semaphore_mem>>
          %dma_start3A_250 = arith.constant 0 : i32
          %dma_start3A_251 = tpu.memref_slice %arg11[%run_scoped3A_247, %run_scoped3A_248, %dma_start3A_250] : memref<2x4x128xi32, #tpu.memory_space<vmem>> -> memref<1x1x128xi32, #tpu.memory_space<vmem>>
          %dma_start3A_252 = tpu.memref_squeeze %dma_start3A_251 : memref<1x1x128xi32, #tpu.memory_space<vmem>> -> memref<128xi32, #tpu.memory_space<vmem>>
          %dma_start3A_253 = arith.constant 0 : i32
          %dma_start3A_254 = arith.constant 0 : i32
          %dma_start3A_255 = tpu.memref_slice %arg18[%dma_start3A_253, %dma_start3A_254] : memref<10016x16xf32, #tpu.memory_space<vmem_shared>> -> memref<10016x16xf32, #tpu.memory_space<vmem_shared>>
          tpu.enqueue_indirect_dma source(%arg14 : memref<128x16xf32, #tpu.memory_space<vmem>>) target(%dma_start3A_255 : memref<10016x16xf32, #tpu.memory_space<vmem_shared>>) offsets(%dma_start3A_252 : memref<128xi32, #tpu.memory_space<vmem>>) semaphore(%run_scoped3A_249 : memref<!tpu.dma_semaphore, #tpu.memory_space<semaphore_mem>>) {add = true}
          %dma_wait3A_256 = arith.constant 0 : i32
          %dma_wait3A_257 = tpu.memref_slice %arg11[%run_scoped3A_247, %run_scoped3A_248, %dma_wait3A_256] : memref<2x4x128xi32, #tpu.memory_space<vmem>> -> memref<1x1x128xi32, #tpu.memory_space<vmem>>
          %dma_wait3A_258 = tpu.memref_squeeze %dma_wait3A_257 : memref<1x1x128xi32, #tpu.memory_space<vmem>> -> memref<128xi32, #tpu.memory_space<vmem>>
          %dma_wait3A_259 = arith.constant 0 : i32
          %dma_wait3A_260 = arith.constant 0 : i32
          %dma_wait3A_261 = tpu.memref_slice %arg18[%dma_wait3A_259, %dma_wait3A_260] : memref<10016x16xf32, #tpu.memory_space<vmem_shared>> -> memref<10016x16xf32, #tpu.memory_space<vmem_shared>>
          tpu.wait_indirect_dma semaphore(%run_scoped3A_249 : memref<!tpu.dma_semaphore, #tpu.memory_space<semaphore_mem>>) src(%arg14 : memref<128x16xf32, #tpu.memory_space<vmem>>) dst(%dma_wait3A_261 : memref<10016x16xf32, #tpu.memory_space<vmem_shared>>)
          tpu.yield
        }) : () -> ()
      } else {
      }
      %dma_start3A_201 = arith.constant 1 : i32
      %dma_start3A_202 = arith.constant 3 : i32
      %dma_start3A_203 = arith.constant 0 : i32
      %dma_start3A_204 = tpu.memref_slice %arg10[%dma_start3A_201, %dma_start3A_202, %dma_start3A_203] : memref<2x4x128xi32, #tpu.memory_space<vmem>> -> memref<1x1x128xi32, #tpu.memory_space<vmem>>
      %dma_start3A_205 = tpu.memref_squeeze %dma_start3A_204 : memref<1x1x128xi32, #tpu.memory_space<vmem>> -> memref<128xi32, #tpu.memory_space<vmem>>
      %dma_start3A_206 = arith.constant 0 : i32
      %dma_start3A_207 = arith.constant 0 : i32
      %dma_start3A_208 = tpu.memref_slice %arg2[%dma_start3A_206, %dma_start3A_207] : memref<20000x128xf32, #tpu.memory_space<hbm>> -> memref<20000x128xf32, #tpu.memory_space<hbm>>
      tpu.enqueue_indirect_dma source(%dma_start3A_208 : memref<20000x128xf32, #tpu.memory_space<hbm>>) target(%arg13 : memref<128x128xf32, #tpu.memory_space<vmem>>) offsets(%dma_start3A_205 : memref<128xi32, #tpu.memory_space<vmem>>) semaphore(%arg16 : memref<!tpu.dma_semaphore, #tpu.memory_space<semaphore_mem>>)
      %dma_wait3A_209 = arith.constant 1 : i32
      %dma_wait3A_210 = arith.constant 2 : i32
      %dma_wait3A_211 = arith.constant 0 : i32
      %dma_wait3A_212 = tpu.memref_slice %arg10[%dma_wait3A_209, %dma_wait3A_210, %dma_wait3A_211] : memref<2x4x128xi32, #tpu.memory_space<vmem>> -> memref<1x1x128xi32, #tpu.memory_space<vmem>>
      %dma_wait3A_213 = tpu.memref_squeeze %dma_wait3A_212 : memref<1x1x128xi32, #tpu.memory_space<vmem>> -> memref<128xi32, #tpu.memory_space<vmem>>
      %dma_wait3A_214 = arith.constant 0 : i32
      %dma_wait3A_215 = arith.constant 0 : i32
      %dma_wait3A_216 = tpu.memref_slice %arg2[%dma_wait3A_214, %dma_wait3A_215] : memref<20000x128xf32, #tpu.memory_space<hbm>> -> memref<20000x128xf32, #tpu.memory_space<hbm>>
      tpu.wait_indirect_dma semaphore(%arg15 : memref<!tpu.dma_semaphore, #tpu.memory_space<semaphore_mem>>) src(%dma_wait3A_216 : memref<20000x128xf32, #tpu.memory_space<hbm>>) dst(%arg12 : memref<128x128xf32, #tpu.memory_space<vmem>>)
      %run_scoped3A_217 = arith.constant 1 : i32
      %run_scoped3A_218 = arith.constant 2 : i32
      "tpu.region"() ({
        %run_scoped3A_247 = tpu.sem_alloc : memref<!tpu.dma_semaphore, #tpu.memory_space<semaphore_mem>>
        %dma_start3A_248 = arith.constant 0 : i32
        %dma_start3A_249 = tpu.memref_slice %arg11[%run_scoped3A_217, %run_scoped3A_218, %dma_start3A_248] : memref<2x4x128xi32, #tpu.memory_space<vmem>> -> memref<1x1x128xi32, #tpu.memory_space<vmem>>
        %dma_start3A_250 = tpu.memref_squeeze %dma_start3A_249 : memref<1x1x128xi32, #tpu.memory_space<vmem>> -> memref<128xi32, #tpu.memory_space<vmem>>
        %dma_start3A_251 = arith.constant 0 : i32
        %dma_start3A_252 = arith.constant 0 : i32
        %dma_start3A_253 = tpu.memref_slice %arg17[%dma_start3A_251, %dma_start3A_252] : memref<10016x128xf32, #tpu.memory_space<vmem_shared>> -> memref<10016x128xf32, #tpu.memory_space<vmem_shared>>
        tpu.enqueue_indirect_dma source(%arg12 : memref<128x128xf32, #tpu.memory_space<vmem>>) target(%dma_start3A_253 : memref<10016x128xf32, #tpu.memory_space<vmem_shared>>) offsets(%dma_start3A_250 : memref<128xi32, #tpu.memory_space<vmem>>) semaphore(%run_scoped3A_247 : memref<!tpu.dma_semaphore, #tpu.memory_space<semaphore_mem>>) {add = true}
        %dma_wait3A_254 = arith.constant 0 : i32
        %dma_wait3A_255 = tpu.memref_slice %arg11[%run_scoped3A_217, %run_scoped3A_218, %dma_wait3A_254] : memref<2x4x128xi32, #tpu.memory_space<vmem>> -> memref<1x1x128xi32, #tpu.memory_space<vmem>>
        %dma_wait3A_256 = tpu.memref_squeeze %dma_wait3A_255 : memref<1x1x128xi32, #tpu.memory_space<vmem>> -> memref<128xi32, #tpu.memory_space<vmem>>
        %dma_wait3A_257 = arith.constant 0 : i32
        %dma_wait3A_258 = arith.constant 0 : i32
        %dma_wait3A_259 = tpu.memref_slice %arg17[%dma_wait3A_257, %dma_wait3A_258] : memref<10016x128xf32, #tpu.memory_space<vmem_shared>> -> memref<10016x128xf32, #tpu.memory_space<vmem_shared>>
        tpu.wait_indirect_dma semaphore(%run_scoped3A_247 : memref<!tpu.dma_semaphore, #tpu.memory_space<semaphore_mem>>) src(%arg12 : memref<128x128xf32, #tpu.memory_space<vmem>>) dst(%dma_wait3A_259 : memref<10016x128xf32, #tpu.memory_space<vmem_shared>>)
        tpu.yield
      }) : () -> ()
      %eq3A_219 = arith.constant 0 : i32
      %eq3A_220 = arith.cmpi eq, %arg0, %eq3A_219 : i32
      %convert_element_type3A_221 = arith.extui %eq3A_220 : i1 to i32
      %cond3A_222 = arith.constant 0 : i32
      %cond3A_223 = arith.cmpi ne, %convert_element_type3A_221, %cond3A_222 : i32
      scf.if %cond3A_223 {
        %run_scoped3A_247 = arith.constant 1 : i32
        %run_scoped3A_248 = arith.constant 2 : i32
        "tpu.region"() ({
          %run_scoped3A_249 = tpu.sem_alloc : memref<!tpu.dma_semaphore, #tpu.memory_space<semaphore_mem>>
          %dma_start3A_250 = arith.constant 0 : i32
          %dma_start3A_251 = tpu.memref_slice %arg11[%run_scoped3A_247, %run_scoped3A_248, %dma_start3A_250] : memref<2x4x128xi32, #tpu.memory_space<vmem>> -> memref<1x1x128xi32, #tpu.memory_space<vmem>>
          %dma_start3A_252 = tpu.memref_squeeze %dma_start3A_251 : memref<1x1x128xi32, #tpu.memory_space<vmem>> -> memref<128xi32, #tpu.memory_space<vmem>>
          %dma_start3A_253 = arith.constant 0 : i32
          %dma_start3A_254 = arith.constant 0 : i32
          %dma_start3A_255 = tpu.memref_slice %arg18[%dma_start3A_253, %dma_start3A_254] : memref<10016x16xf32, #tpu.memory_space<vmem_shared>> -> memref<10016x16xf32, #tpu.memory_space<vmem_shared>>
          tpu.enqueue_indirect_dma source(%arg14 : memref<128x16xf32, #tpu.memory_space<vmem>>) target(%dma_start3A_255 : memref<10016x16xf32, #tpu.memory_space<vmem_shared>>) offsets(%dma_start3A_252 : memref<128xi32, #tpu.memory_space<vmem>>) semaphore(%run_scoped3A_249 : memref<!tpu.dma_semaphore, #tpu.memory_space<semaphore_mem>>) {add = true}
          %dma_wait3A_256 = arith.constant 0 : i32
          %dma_wait3A_257 = tpu.memref_slice %arg11[%run_scoped3A_247, %run_scoped3A_248, %dma_wait3A_256] : memref<2x4x128xi32, #tpu.memory_space<vmem>> -> memref<1x1x128xi32, #tpu.memory_space<vmem>>
          %dma_wait3A_258 = tpu.memref_squeeze %dma_wait3A_257 : memref<1x1x128xi32, #tpu.memory_space<vmem>> -> memref<128xi32, #tpu.memory_space<vmem>>
          %dma_wait3A_259 = arith.constant 0 : i32
          %dma_wait3A_260 = arith.constant 0 : i32
          %dma_wait3A_261 = tpu.memref_slice %arg18[%dma_wait3A_259, %dma_wait3A_260] : memref<10016x16xf32, #tpu.memory_space<vmem_shared>> -> memref<10016x16xf32, #tpu.memory_space<vmem_shared>>
          tpu.wait_indirect_dma semaphore(%run_scoped3A_249 : memref<!tpu.dma_semaphore, #tpu.memory_space<semaphore_mem>>) src(%arg14 : memref<128x16xf32, #tpu.memory_space<vmem>>) dst(%dma_wait3A_261 : memref<10016x16xf32, #tpu.memory_space<vmem_shared>>)
          tpu.yield
        }) : () -> ()
      } else {
      }
      %dma_start3A_224 = arith.constant 0 : i32
      %dma_start3A_225 = arith.constant 0 : i32
      %dma_start3A_226 = arith.constant 0 : i32
      %dma_start3A_227 = tpu.memref_slice %arg10[%dma_start3A_224, %dma_start3A_225, %dma_start3A_226] : memref<2x4x128xi32, #tpu.memory_space<vmem>> -> memref<1x1x128xi32, #tpu.memory_space<vmem>>
      %dma_start3A_228 = tpu.memref_squeeze %dma_start3A_227 : memref<1x1x128xi32, #tpu.memory_space<vmem>> -> memref<128xi32, #tpu.memory_space<vmem>>
      %dma_start3A_229 = arith.constant 0 : i32
      %dma_start3A_230 = arith.constant 0 : i32
      %dma_start3A_231 = tpu.memref_slice %arg2[%dma_start3A_229, %dma_start3A_230] : memref<20000x128xf32, #tpu.memory_space<hbm>> -> memref<20000x128xf32, #tpu.memory_space<hbm>>
      tpu.enqueue_indirect_dma source(%dma_start3A_231 : memref<20000x128xf32, #tpu.memory_space<hbm>>) target(%arg12 : memref<128x128xf32, #tpu.memory_space<vmem>>) offsets(%dma_start3A_228 : memref<128xi32, #tpu.memory_space<vmem>>) semaphore(%arg15 : memref<!tpu.dma_semaphore, #tpu.memory_space<semaphore_mem>>)
      %dma_wait3A_232 = arith.constant 1 : i32
      %dma_wait3A_233 = arith.constant 3 : i32
      %dma_wait3A_234 = arith.constant 0 : i32
      %dma_wait3A_235 = tpu.memref_slice %arg10[%dma_wait3A_232, %dma_wait3A_233, %dma_wait3A_234] : memref<2x4x128xi32, #tpu.memory_space<vmem>> -> memref<1x1x128xi32, #tpu.memory_space<vmem>>
      %dma_wait3A_236 = tpu.memref_squeeze %dma_wait3A_235 : memref<1x1x128xi32, #tpu.memory_space<vmem>> -> memref<128xi32, #tpu.memory_space<vmem>>
      %dma_wait3A_237 = arith.constant 0 : i32
      %dma_wait3A_238 = arith.constant 0 : i32
      %dma_wait3A_239 = tpu.memref_slice %arg2[%dma_wait3A_237, %dma_wait3A_238] : memref<20000x128xf32, #tpu.memory_space<hbm>> -> memref<20000x128xf32, #tpu.memory_space<hbm>>
      tpu.wait_indirect_dma semaphore(%arg16 : memref<!tpu.dma_semaphore, #tpu.memory_space<semaphore_mem>>) src(%dma_wait3A_239 : memref<20000x128xf32, #tpu.memory_space<hbm>>) dst(%arg13 : memref<128x128xf32, #tpu.memory_space<vmem>>)
      %run_scoped3A_240 = arith.constant 1 : i32
      %run_scoped3A_241 = arith.constant 3 : i32
      "tpu.region"() ({
        %run_scoped3A_247 = tpu.sem_alloc : memref<!tpu.dma_semaphore, #tpu.memory_space<semaphore_mem>>
        %dma_start3A_248 = arith.constant 0 : i32
        %dma_start3A_249 = tpu.memref_slice %arg11[%run_scoped3A_240, %run_scoped3A_241, %dma_start3A_248] : memref<2x4x128xi32, #tpu.memory_space<vmem>> -> memref<1x1x128xi32, #tpu.memory_space<vmem>>
        %dma_start3A_250 = tpu.memref_squeeze %dma_start3A_249 : memref<1x1x128xi32, #tpu.memory_space<vmem>> -> memref<128xi32, #tpu.memory_space<vmem>>
        %dma_start3A_251 = arith.constant 0 : i32
        %dma_start3A_252 = arith.constant 0 : i32
        %dma_start3A_253 = tpu.memref_slice %arg17[%dma_start3A_251, %dma_start3A_252] : memref<10016x128xf32, #tpu.memory_space<vmem_shared>> -> memref<10016x128xf32, #tpu.memory_space<vmem_shared>>
        tpu.enqueue_indirect_dma source(%arg13 : memref<128x128xf32, #tpu.memory_space<vmem>>) target(%dma_start3A_253 : memref<10016x128xf32, #tpu.memory_space<vmem_shared>>) offsets(%dma_start3A_250 : memref<128xi32, #tpu.memory_space<vmem>>) semaphore(%run_scoped3A_247 : memref<!tpu.dma_semaphore, #tpu.memory_space<semaphore_mem>>) {add = true}
        %dma_wait3A_254 = arith.constant 0 : i32
        %dma_wait3A_255 = tpu.memref_slice %arg11[%run_scoped3A_240, %run_scoped3A_241, %dma_wait3A_254] : memref<2x4x128xi32, #tpu.memory_space<vmem>> -> memref<1x1x128xi32, #tpu.memory_space<vmem>>
        %dma_wait3A_256 = tpu.memref_squeeze %dma_wait3A_255 : memref<1x1x128xi32, #tpu.memory_space<vmem>> -> memref<128xi32, #tpu.memory_space<vmem>>
        %dma_wait3A_257 = arith.constant 0 : i32
        %dma_wait3A_258 = arith.constant 0 : i32
        %dma_wait3A_259 = tpu.memref_slice %arg17[%dma_wait3A_257, %dma_wait3A_258] : memref<10016x128xf32, #tpu.memory_space<vmem_shared>> -> memref<10016x128xf32, #tpu.memory_space<vmem_shared>>
        tpu.wait_indirect_dma semaphore(%run_scoped3A_247 : memref<!tpu.dma_semaphore, #tpu.memory_space<semaphore_mem>>) src(%arg13 : memref<128x128xf32, #tpu.memory_space<vmem>>) dst(%dma_wait3A_259 : memref<10016x128xf32, #tpu.memory_space<vmem_shared>>)
        tpu.yield
      }) : () -> ()
      %eq3A_242 = arith.constant 0 : i32
      %eq3A_243 = arith.cmpi eq, %arg0, %eq3A_242 : i32
      %convert_element_type3A_244 = arith.extui %eq3A_243 : i1 to i32
      %cond3A_245 = arith.constant 0 : i32
      %cond3A_246 = arith.cmpi ne, %convert_element_type3A_244, %cond3A_245 : i32
      scf.if %cond3A_246 {
        %run_scoped3A_247 = arith.constant 1 : i32
        %run_scoped3A_248 = arith.constant 3 : i32
        "tpu.region"() ({
          %run_scoped3A_249 = tpu.sem_alloc : memref<!tpu.dma_semaphore, #tpu.memory_space<semaphore_mem>>
          %dma_start3A_250 = arith.constant 0 : i32
          %dma_start3A_251 = tpu.memref_slice %arg11[%run_scoped3A_247, %run_scoped3A_248, %dma_start3A_250] : memref<2x4x128xi32, #tpu.memory_space<vmem>> -> memref<1x1x128xi32, #tpu.memory_space<vmem>>
          %dma_start3A_252 = tpu.memref_squeeze %dma_start3A_251 : memref<1x1x128xi32, #tpu.memory_space<vmem>> -> memref<128xi32, #tpu.memory_space<vmem>>
          %dma_start3A_253 = arith.constant 0 : i32
          %dma_start3A_254 = arith.constant 0 : i32
          %dma_start3A_255 = tpu.memref_slice %arg18[%dma_start3A_253, %dma_start3A_254] : memref<10016x16xf32, #tpu.memory_space<vmem_shared>> -> memref<10016x16xf32, #tpu.memory_space<vmem_shared>>
          tpu.enqueue_indirect_dma source(%arg14 : memref<128x16xf32, #tpu.memory_space<vmem>>) target(%dma_start3A_255 : memref<10016x16xf32, #tpu.memory_space<vmem_shared>>) offsets(%dma_start3A_252 : memref<128xi32, #tpu.memory_space<vmem>>) semaphore(%run_scoped3A_249 : memref<!tpu.dma_semaphore, #tpu.memory_space<semaphore_mem>>) {add = true}
          %dma_wait3A_256 = arith.constant 0 : i32
          %dma_wait3A_257 = tpu.memref_slice %arg11[%run_scoped3A_247, %run_scoped3A_248, %dma_wait3A_256] : memref<2x4x128xi32, #tpu.memory_space<vmem>> -> memref<1x1x128xi32, #tpu.memory_space<vmem>>
          %dma_wait3A_258 = tpu.memref_squeeze %dma_wait3A_257 : memref<1x1x128xi32, #tpu.memory_space<vmem>> -> memref<128xi32, #tpu.memory_space<vmem>>
          %dma_wait3A_259 = arith.constant 0 : i32
          %dma_wait3A_260 = arith.constant 0 : i32
          %dma_wait3A_261 = tpu.memref_slice %arg18[%dma_wait3A_259, %dma_wait3A_260] : memref<10016x16xf32, #tpu.memory_space<vmem_shared>> -> memref<10016x16xf32, #tpu.memory_space<vmem_shared>>
          tpu.wait_indirect_dma semaphore(%run_scoped3A_249 : memref<!tpu.dma_semaphore, #tpu.memory_space<semaphore_mem>>) src(%arg14 : memref<128x16xf32, #tpu.memory_space<vmem>>) dst(%dma_wait3A_261 : memref<10016x16xf32, #tpu.memory_space<vmem_shared>>)
          tpu.yield
        }) : () -> ()
      } else {
      }
    }
    %scan3A_20 = arith.constant 10 : i32
    %dma_wait3A = arith.constant 0 : i32
    %dma_wait3A_21 = arith.constant 0 : i32
    %dma_wait3A_22 = arith.constant 0 : i32
    %dma_wait3A_23 = tpu.memref_slice %arg10[%dma_wait3A, %dma_wait3A_21, %dma_wait3A_22] : memref<2x4x128xi32, #tpu.memory_space<vmem>> -> memref<1x1x128xi32, #tpu.memory_space<vmem>>
    %dma_wait3A_24 = tpu.memref_squeeze %dma_wait3A_23 : memref<1x1x128xi32, #tpu.memory_space<vmem>> -> memref<128xi32, #tpu.memory_space<vmem>>
    %dma_wait3A_25 = arith.constant 0 : i32
    %dma_wait3A_26 = arith.constant 0 : i32
    %dma_wait3A_27 = tpu.memref_slice %arg2[%dma_wait3A_25, %dma_wait3A_26] : memref<20000x128xf32, #tpu.memory_space<hbm>> -> memref<20000x128xf32, #tpu.memory_space<hbm>>
    tpu.wait_indirect_dma semaphore(%arg15 : memref<!tpu.dma_semaphore, #tpu.memory_space<semaphore_mem>>) src(%dma_wait3A_27 : memref<20000x128xf32, #tpu.memory_space<hbm>>) dst(%arg12 : memref<128x128xf32, #tpu.memory_space<vmem>>)
    %barrier3A_28 = arith.constant 0 : index
    tpu.barrier barrier_id(%barrier3A_28)
    "tpu.region"() ({
      %run_scoped3A_34 = tpu.sem_alloc : memref<!tpu.dma_semaphore, #tpu.memory_space<semaphore_mem>>
      %dma_start3A_35 = arith.constant 0 : i32
      %dma_start3A_36 = tpu.memref_slice %arg8[%arg0, %mul3A_0, %dma_start3A_35] : memref<2x10016x128xf32, #tpu.memory_space<hbm>> -> memref<1x626x128xf32, #tpu.memory_space<hbm>>
      %dma_start3A_37 = tpu.memref_squeeze %dma_start3A_36 : memref<1x626x128xf32, #tpu.memory_space<hbm>> -> memref<626x128xf32, #tpu.memory_space<hbm>>
      %dma_start3A_38 = arith.constant 0 : i32
      %dma_start3A_39 = tpu.memref_slice %arg17[%mul3A_0, %dma_start3A_38] : memref<10016x128xf32, #tpu.memory_space<vmem_shared>> -> memref<626x128xf32, #tpu.memory_space<vmem_shared>>
      tpu.enqueue_dma source(%dma_start3A_39 : memref<626x128xf32, #tpu.memory_space<vmem_shared>>) target(%dma_start3A_37 : memref<626x128xf32, #tpu.memory_space<hbm>>) target_semaphore(%run_scoped3A_34 : memref<!tpu.dma_semaphore, #tpu.memory_space<semaphore_mem>>)
      %dma_wait3A_40 = arith.constant 0 : i32
      %dma_wait3A_41 = tpu.memref_slice %arg8[%arg0, %mul3A_0, %dma_wait3A_40] : memref<2x10016x128xf32, #tpu.memory_space<hbm>> -> memref<1x626x128xf32, #tpu.memory_space<hbm>>
      %dma_wait3A_42 = tpu.memref_squeeze %dma_wait3A_41 : memref<1x626x128xf32, #tpu.memory_space<hbm>> -> memref<626x128xf32, #tpu.memory_space<hbm>>
      %dma_wait3A_43 = arith.constant 0 : i32
      %dma_wait3A_44 = tpu.memref_slice %arg17[%mul3A_0, %dma_wait3A_43] : memref<10016x128xf32, #tpu.memory_space<vmem_shared>> -> memref<626x128xf32, #tpu.memory_space<vmem_shared>>
      tpu.wait_dma2 semaphore(%run_scoped3A_34 : memref<!tpu.dma_semaphore, #tpu.memory_space<semaphore_mem>>) src(%dma_wait3A_44 : memref<626x128xf32, #tpu.memory_space<vmem_shared>>) dst(%dma_wait3A_42 : memref<626x128xf32, #tpu.memory_space<hbm>>)
      tpu.yield
    }) : () -> ()
    %eq3A_29 = arith.constant 0 : i32
    %eq3A_30 = arith.cmpi eq, %arg0, %eq3A_29 : i32
    %convert_element_type3A_31 = arith.extui %eq3A_30 : i1 to i32
    %cond3A_32 = arith.constant 0 : i32
    %cond3A_33 = arith.cmpi ne, %convert_element_type3A_31, %cond3A_32 : i32
    scf.if %cond3A_33 {
      "tpu.region"() ({
        %run_scoped3A_34 = tpu.sem_alloc : memref<!tpu.dma_semaphore, #tpu.memory_space<semaphore_mem>>
        %dma_start3A_35 = arith.constant 0 : i32
        %dma_start3A_36 = tpu.memref_slice %arg9[%mul3A_0, %dma_start3A_35] : memref<10016x16xf32, #tpu.memory_space<hbm>> -> memref<626x16xf32, #tpu.memory_space<hbm>>
        %dma_start3A_37 = arith.constant 0 : i32
        %dma_start3A_38 = tpu.memref_slice %arg18[%mul3A_0, %dma_start3A_37] : memref<10016x16xf32, #tpu.memory_space<vmem_shared>> -> memref<626x16xf32, #tpu.memory_space<vmem_shared>>
        tpu.enqueue_dma source(%dma_start3A_38 : memref<626x16xf32, #tpu.memory_space<vmem_shared>>) target(%dma_start3A_36 : memref<626x16xf32, #tpu.memory_space<hbm>>) target_semaphore(%run_scoped3A_34 : memref<!tpu.dma_semaphore, #tpu.memory_space<semaphore_mem>>)
        %dma_wait3A_39 = arith.constant 0 : i32
        %dma_wait3A_40 = tpu.memref_slice %arg9[%mul3A_0, %dma_wait3A_39] : memref<10016x16xf32, #tpu.memory_space<hbm>> -> memref<626x16xf32, #tpu.memory_space<hbm>>
        %dma_wait3A_41 = arith.constant 0 : i32
        %dma_wait3A_42 = tpu.memref_slice %arg18[%mul3A_0, %dma_wait3A_41] : memref<10016x16xf32, #tpu.memory_space<vmem_shared>> -> memref<626x16xf32, #tpu.memory_space<vmem_shared>>
        tpu.wait_dma2 semaphore(%run_scoped3A_34 : memref<!tpu.dma_semaphore, #tpu.memory_space<semaphore_mem>>) src(%dma_wait3A_42 : memref<626x16xf32, #tpu.memory_space<vmem_shared>>) dst(%dma_wait3A_40 : memref<626x16xf32, #tpu.memory_space<hbm>>)
        tpu.yield
      }) : () -> ()
    } else {
    }
    return
  }
}

module attributes {stable_mosaic.version = 14 : i64} {
  func.func @_tc_xwr_body(%arg0: i32, %arg1: memref<512x256xf32, #tpu.memory_space<vmem>>, %arg2: memref<256x512xf32, #tpu.memory_space<vmem>>, %arg3: memref<1x512xf32, #tpu.memory_space<vmem>>, %arg4: memref<512x512xf32, #tpu.memory_space<vmem>>) attributes {dimension_semantics = [#tpu.dimension_semantics<arbitrary>], iteration_bounds = array<i64: 20>, scalar_prefetch = 0 : i64, scratch_operands = 0 : i64, tpu.core_type = #tpu.core_type<tc>, window_params = [{transform_indices = @transform_0, window_bounds = array<i64: 512, 256>}, {pipeline_mode = #tpu.pipeline_mode<synchronous>, transform_indices = @transform_1, window_bounds = array<i64: 256, 512>}, {pipeline_mode = #tpu.pipeline_mode<synchronous>, transform_indices = @transform_2, window_bounds = array<i64: 1, 512>}, {transform_indices = @transform_3, window_bounds = array<i64: 512, 512>}]} {
    %get3A = arith.constant 0 : index
    %get3A_0 = arith.constant 0 : index
    %get3A_1 = vector.load %arg1[%get3A, %get3A_0] : memref<512x256xf32, #tpu.memory_space<vmem>>, vector<512x256xf32>
    %get3A_2 = arith.constant 0 : index
    %get3A_3 = arith.constant 0 : index
    %get3A_4 = vector.load %arg2[%get3A_2, %get3A_3] : memref<256x512xf32, #tpu.memory_space<vmem>>, vector<256x512xf32>
    %dot_general3A = arith.constant dense<0.000000e+00> : vector<512x512xf32>
    %dot_general3A_5 = tpu.matmul %get3A_1, %get3A_4, %dot_general3A {dimension_numbers = #tpu.dot_dimension_numbers<[1], [0], [0], [1], [0, 0, 1, 1], [], []>, transpose_lhs_hint = false} : vector<512x256xf32>, vector<256x512xf32>, vector<512x512xf32> -> vector<512x512xf32>
    %get3A_6 = arith.constant 0 : index
    %get3A_7 = arith.constant 0 : index
    %get3A_8 = vector.load %arg3[%get3A_6, %get3A_7] : memref<1x512xf32, #tpu.memory_space<vmem>>, vector<1x512xf32>
    %add3A = vector.broadcast %get3A_8 : vector<1x512xf32> to vector<512x512xf32>
    %add3A_9 = arith.addf %dot_general3A_5, %add3A : vector<512x512xf32>
    %swap3A = arith.constant 0 : index
    %swap3A_10 = arith.constant 0 : index
    %swap3A_11 = vector.load %arg4[%swap3A, %swap3A_10] : memref<512x512xf32, #tpu.memory_space<vmem>>, vector<512x512xf32>
    tpu.vector_store %arg4[%swap3A, %swap3A_10], %add3A_9 {strides = array<i32>} : memref<512x512xf32, #tpu.memory_space<vmem>>, vector<512x512xf32>,
    return
  }
  func.func @transform_0(%arg0: i32) -> (i32, i32) {
    %c0_i32 = arith.constant 0 : i32
    %c0_i32_0 = arith.constant 0 : i32
    return %arg0, %c0_i32 : i32, i32
  }
  func.func @transform_1(%arg0: i32) -> (i32, i32) {
    %c0_i32 = arith.constant 0 : i32
    %c0_i32_0 = arith.constant 0 : i32
    %c0_i32_1 = arith.constant 0 : i32
    return %c0_i32, %c0_i32_0 : i32, i32
  }
  func.func @transform_2(%arg0: i32) -> (i32, i32) {
    %c0_i32 = arith.constant 0 : i32
    %c0_i32_0 = arith.constant 0 : i32
    %c0_i32_1 = arith.constant 0 : i32
    return %c0_i32, %c0_i32_0 : i32, i32
  }
  func.func @transform_3(%arg0: i32) -> (i32, i32) {
    %c0_i32 = arith.constant 0 : i32
    %c0_i32_0 = arith.constant 0 : i32
    return %arg0, %c0_i32 : i32, i32
  }
}

module attributes {stable_mosaic.version = 14 : i64} {
  func.func @_tc_body(%arg0: i32, %arg1: memref<1024x128xf32, #tpu.memory_space<vmem>>, %arg2: memref<1024x128xf32, #tpu.memory_space<vmem>>, %arg3: memref<1024x16xf32, #tpu.memory_space<vmem>>, %arg4: memref<1024x512xf32, #tpu.memory_space<vmem>>, %arg5: memref<256x512xf32, #tpu.memory_space<vmem>>, %arg6: memref<512x512xf32, #tpu.memory_space<vmem>>, %arg7: memref<1x512xf32, #tpu.memory_space<vmem>>, %arg8: memref<512x256xf32, #tpu.memory_space<vmem>>, %arg9: memref<1x256xf32, #tpu.memory_space<vmem>>, %arg10: memref<1024x256xf32, #tpu.memory_space<vmem>>) attributes {dimension_semantics = [#tpu.dimension_semantics<arbitrary>], iteration_bounds = array<i64: 10>, scalar_prefetch = 0 : i64, scratch_operands = 0 : i64, tpu.core_type = #tpu.core_type<tc>, window_params = [{transform_indices = @transform_0, window_bounds = array<i64: 1024, 128>}, {transform_indices = @transform_1, window_bounds = array<i64: 1024, 128>}, {transform_indices = @transform_2, window_bounds = array<i64: 1024, 16>}, {transform_indices = @transform_3, window_bounds = array<i64: 1024, 512>}, {pipeline_mode = #tpu.pipeline_mode<synchronous>, transform_indices = @transform_4, window_bounds = array<i64: 256, 512>}, {pipeline_mode = #tpu.pipeline_mode<synchronous>, transform_indices = @transform_5, window_bounds = array<i64: 512, 512>}, {pipeline_mode = #tpu.pipeline_mode<synchronous>, transform_indices = @transform_6, window_bounds = array<i64: 1, 512>}, {pipeline_mode = #tpu.pipeline_mode<synchronous>, transform_indices = @transform_7, window_bounds = array<i64: 512, 256>}, {pipeline_mode = #tpu.pipeline_mode<synchronous>, transform_indices = @transform_8, window_bounds = array<i64: 1, 256>}, {transform_indices = @transform_9, window_bounds = array<i64: 1024, 256>}]} {
    %get3A = arith.constant 0 : index
    %get3A_0 = arith.constant 0 : index
    %get3A_1 = vector.load %arg3[%get3A, %get3A_0] : memref<1024x16xf32, #tpu.memory_space<vmem>>, vector<1024x1xf32>
    %jit3A = arith.constant 1.000000e+00 : f32
    %max3A = vector.broadcast %jit3A : f32 to vector<1024x1xf32>
    %max3A_2 = arith.maximumf %max3A, %get3A_1 : vector<1024x1xf32>
    %get3A_3 = arith.constant 0 : index
    %get3A_4 = arith.constant 0 : index
    %get3A_5 = vector.load %arg1[%get3A_3, %get3A_4] : memref<1024x128xf32, #tpu.memory_space<vmem>>, vector<1024x128xf32>
    %get3A_6 = arith.constant 0 : index
    %get3A_7 = arith.constant 0 : index
    %get3A_8 = vector.load %arg2[%get3A_6, %get3A_7] : memref<1024x128xf32, #tpu.memory_space<vmem>>, vector<1024x128xf32>
    %concatenate3A = tpu.concatenate %get3A_5, %get3A_8 in 1 : vector<1024x128xf32>, vector<1024x128xf32> -> vector<1024x256xf32>
    %div3A = vector.broadcast %max3A_2 : vector<1024x1xf32> to vector<1024x256xf32>
    %div3A_9 = arith.divf %concatenate3A, %div3A : vector<1024x256xf32>
    %get3A_10 = arith.constant 0 : index
    %get3A_11 = arith.constant 0 : index
    %get3A_12 = vector.load %arg5[%get3A_10, %get3A_11] : memref<256x512xf32, #tpu.memory_space<vmem>>, vector<256x512xf32>
    %dot_general3A = arith.constant dense<0.000000e+00> : vector<1024x512xf32>
    %dot_general3A_13 = tpu.matmul %div3A_9, %get3A_12, %dot_general3A {dimension_numbers = #tpu.dot_dimension_numbers<[1], [0], [0], [1], [0, 0, 1, 1], [], []>, transpose_lhs_hint = false} : vector<1024x256xf32>, vector<256x512xf32>, vector<1024x512xf32> -> vector<1024x512xf32>
    %get3A_14 = arith.constant 0 : index
    %get3A_15 = arith.constant 0 : index
    %get3A_16 = vector.load %arg4[%get3A_14, %get3A_15] : memref<1024x512xf32, #tpu.memory_space<vmem>>, vector<1024x512xf32>
    %add3A = arith.addf %dot_general3A_13, %get3A_16 : vector<1024x512xf32>
    %max3A_17 = arith.constant 0.000000e+00 : f32
    %max3A_18 = vector.broadcast %max3A_17 : f32 to vector<1024x512xf32>
    %max3A_19 = arith.maximumf %add3A, %max3A_18 : vector<1024x512xf32>
    %get3A_20 = arith.constant 0 : index
    %get3A_21 = arith.constant 0 : index
    %get3A_22 = vector.load %arg6[%get3A_20, %get3A_21] : memref<512x512xf32, #tpu.memory_space<vmem>>, vector<512x512xf32>
    %dot_general3A_23 = arith.constant dense<0.000000e+00> : vector<1024x512xf32>
    %dot_general3A_24 = tpu.matmul %max3A_19, %get3A_22, %dot_general3A_23 {dimension_numbers = #tpu.dot_dimension_numbers<[1], [0], [0], [1], [0, 0, 1, 1], [], []>, transpose_lhs_hint = false} : vector<1024x512xf32>, vector<512x512xf32>, vector<1024x512xf32> -> vector<1024x512xf32>
    %get3A_25 = arith.constant 0 : index
    %get3A_26 = arith.constant 0 : index
    %get3A_27 = vector.load %arg7[%get3A_25, %get3A_26] : memref<1x512xf32, #tpu.memory_space<vmem>>, vector<1x512xf32>
    %add3A_28 = vector.broadcast %get3A_27 : vector<1x512xf32> to vector<1024x512xf32>
    %add3A_29 = arith.addf %dot_general3A_24, %add3A_28 : vector<1024x512xf32>
    %max3A_30 = arith.constant 0.000000e+00 : f32
    %max3A_31 = vector.broadcast %max3A_30 : f32 to vector<1024x512xf32>
    %max3A_32 = arith.maximumf %add3A_29, %max3A_31 : vector<1024x512xf32>
    %get3A_33 = arith.constant 0 : index
    %get3A_34 = arith.constant 0 : index
    %get3A_35 = vector.load %arg8[%get3A_33, %get3A_34] : memref<512x256xf32, #tpu.memory_space<vmem>>, vector<512x256xf32>
    %dot_general3A_36 = arith.constant dense<0.000000e+00> : vector<1024x256xf32>
    %dot_general3A_37 = tpu.matmul %max3A_32, %get3A_35, %dot_general3A_36 {dimension_numbers = #tpu.dot_dimension_numbers<[1], [0], [0], [1], [0, 0, 1, 1], [], []>, transpose_lhs_hint = false} : vector<1024x512xf32>, vector<512x256xf32>, vector<1024x256xf32> -> vector<1024x256xf32>
    %get3A_38 = arith.constant 0 : index
    %get3A_39 = arith.constant 0 : index
    %get3A_40 = vector.load %arg9[%get3A_38, %get3A_39] : memref<1x256xf32, #tpu.memory_space<vmem>>, vector<1x256xf32>
    %add3A_41 = vector.broadcast %get3A_40 : vector<1x256xf32> to vector<1024x256xf32>
    %add3A_42 = arith.addf %dot_general3A_37, %add3A_41 : vector<1024x256xf32>
    %swap3A = arith.constant 0 : index
    %swap3A_43 = arith.constant 0 : index
    %swap3A_44 = vector.load %arg10[%swap3A, %swap3A_43] : memref<1024x256xf32, #tpu.memory_space<vmem>>, vector<1024x256xf32>
    tpu.vector_store %arg10[%swap3A, %swap3A_43], %add3A_42 {strides = array<i32>} : memref<1024x256xf32, #tpu.memory_space<vmem>>, vector<1024x256xf32>,
    return
  }
  func.func @transform_0(%arg0: i32) -> (i32, i32) {
    %c0_i32 = arith.constant 0 : i32
    %c0_i32_0 = arith.constant 0 : i32
    return %arg0, %c0_i32 : i32, i32
  }
  func.func @transform_1(%arg0: i32) -> (i32, i32) {
    %c0_i32 = arith.constant 0 : i32
    %c0_i32_0 = arith.constant 0 : i32
    return %arg0, %c0_i32 : i32, i32
  }
  func.func @transform_2(%arg0: i32) -> (i32, i32) {
    %c0_i32 = arith.constant 0 : i32
    %c0_i32_0 = arith.constant 0 : i32
    return %arg0, %c0_i32 : i32, i32
  }
  func.func @transform_3(%arg0: i32) -> (i32, i32) {
    %c0_i32 = arith.constant 0 : i32
    %c0_i32_0 = arith.constant 0 : i32
    return %arg0, %c0_i32 : i32, i32
  }
  func.func @transform_4(%arg0: i32) -> (i32, i32) {
    %c0_i32 = arith.constant 0 : i32
    %c0_i32_0 = arith.constant 0 : i32
    %c0_i32_1 = arith.constant 0 : i32
    return %c0_i32, %c0_i32_0 : i32, i32
  }
  func.func @transform_5(%arg0: i32) -> (i32, i32) {
    %c0_i32 = arith.constant 0 : i32
    %c0_i32_0 = arith.constant 0 : i32
    %c0_i32_1 = arith.constant 0 : i32
    return %c0_i32, %c0_i32_0 : i32, i32
  }
  func.func @transform_6(%arg0: i32) -> (i32, i32) {
    %c0_i32 = arith.constant 0 : i32
    %c0_i32_0 = arith.constant 0 : i32
    %c0_i32_1 = arith.constant 0 : i32
    return %c0_i32, %c0_i32_0 : i32, i32
  }
  func.func @transform_7(%arg0: i32) -> (i32, i32) {
    %c0_i32 = arith.constant 0 : i32
    %c0_i32_0 = arith.constant 0 : i32
    %c0_i32_1 = arith.constant 0 : i32
    return %c0_i32, %c0_i32_0 : i32, i32
  }
  func.func @transform_8(%arg0: i32) -> (i32, i32) {
    %c0_i32 = arith.constant 0 : i32
    %c0_i32_0 = arith.constant 0 : i32
    %c0_i32_1 = arith.constant 0 : i32
    return %c0_i32, %c0_i32_0 : i32, i32
  }
  func.func @transform_9(%arg0: i32) -> (i32, i32) {
    %c0_i32 = arith.constant 0 : i32
    %c0_i32_0 = arith.constant 0 : i32
    return %arg0, %c0_i32 : i32, i32
  }
}

</mosaic_0001>

<sc_bundles>
// kernel: kernel.5.cloned.1.call-start
scs
__scs_entry_jumppad:
0x0: {  	(pc) =	sbr.rel $0x88, $3  }
0x1: {  	(tag) =	ssettag $0x0;
	lr =	simm.s32 $0x1  }
0x2: {  	[smem:$0x3F98] =	sst lr;
	_ =	strace $0xD0000000  }
0x3: {  	_ = 	snop  }
0x4: {  	_ = 	snop  }
0x5: {  	_ = 	snop  }
0x6: {  	_ = 	snop  }
0x7: {  	_ = 	snop  }
__scs_overlays_trampoline_lowered:
0x8: {  	[smem:$0x3FA7] =	sst s0  }
0x9: {  	[smem:$0x3FA8] =	sst s1  }
0xa: {  	[smem:$0x3FA9] =	sst s2  }
0xb: {  	[smem:$0x3FAA] =	sst s3  }
0xc: {  	[smem:$0x3FAB] =	sst s4  }
0xd: {  	[smem:$0x3FAC] =	sst s5  }
0xe: {  	[smem:$0x3FAD] =	sst s6  }
0xf: {  	[smem:$0x3FAE] =	sst s7  }
0x10: {  	[smem:$0x3FAF] =	sst s8  }
0x11: {  	[smem:$0x3FB0] =	sst s9;
	s0 =	simm.s32 @!p0 $0x0  }
0x12: {  	s1 =	sld [smem:$0x3F96];
	s0 =	simm.s32 @p0 $0x1  }
0x13: {  	[smem:$0x3FB1] =	sst s0;
	s0 =	simm.s32 @!p1 $0x0  }
0x14: {  	s2 =	sld [smem:$0x3F95];
	s0 =	simm.s32 @p1 $0x1  }
0x15: {  	[smem:$0x3FB2] =	sst s0;
	s0 =	simm.s32 @!p2 $0x0  }
0x16: {  	s3 =	sld [smem:$0x3FDB];
	s0 =	simm.s32 @p2 $0x1  }
0x17: {  	s4 =	simm.s32 $0x1BF5;
	[smem:$0x3FB4] =	sst s0  }
0x18: {  	s0 =	sld [smem:$0x3F97];
	_ =	swait.ge [sflag:s4], $0x0  }
0x19: {  	s7 =	sld [smem:$0x3F98]  }
0x1a: {  	s8 =	sadd.s32 $0xFFFFE003, lr  }
0x1b: {  	s9 =	sadd.s32 $0xFFFFFEF7, lr;
	s5 =	simm.s32 $0xFFFFFFFF;
	p2 =	slt.u32 s8, $0xFFFFF086  }
0x1c: {  	p1 =	slt.u32 s9, $0xF7A;
	s5 =	simm.s32 @!p2 $0x0  }
0x1d: {  	s5 =	simm.s32 @p1 $0x1;
	p0 =	seq.s32 s7, s2  }
0x1e: {  	s7 =	smul.u32 @!p0 $0xF7A, s2;
	p2 =	seq.s32 @!p0 s5, $0x0  }
0x1f: {  	s9 =	smul.u32 $0xF7A, s1;
	s8 =	simm.s32 @!p0 $0x1BF5;
	p2 =	por !p2, p0  }
0x20: {  	[sflag:s8] =	ssyncset.s32 @!p0 $0xFFFFF086;
	s6 =	sadd.s32 @!p0 s3, s7;
	s7 =	simm.s32 @!p0 $0x108  }
0x21: {  	s3 =	sadd.s32 s3, s9;
	s6 =	sadd.s32 @!p0 $0x88, s6;
	s7 =	simm.s32 @p2 $0x1082  }
0x22: {  	[simem:s7], [sflag:s8] =	dma.local @!p0 [hbm:s6], $0xF7A  }
0x23: {  	s9 =	sor.u32 $0xD0000000, s2;
	s6 =	simm.s32 $0x108;
	_ =	swait.ge @!p0 [sflag:s8], $0x0  }
0x24: {  	s3 =	sadd.s32 $0x88, s3;
	s6 =	simm.s32 @!p1 $0x1082;
	[sflag:s4] =	ssyncset.s32 $0xFFFFF086  }
0x25: {  	[simem:s6], [sflag:s4] =	dma.local [hbm:s3], $0xF7A  }
0x26: {  	[smem:$0x3F98] =	sst s1;
	(tag) =	ssettag s2;
	_ =	strace s9  }
0x27: {  	s1 =	sld [smem:$0x3FA8]  }
0x28: {  	s2 =	sld [smem:$0x3FA9]  }
0x29: {  	s4 =	sld [smem:$0x3FAB]  }
0x2a: {  	p0 =	seq.s32 s5, $0x0;
	s5 =	sld [smem:$0x3FAC]  }
0x2b: {  	s6 =	sld [smem:$0x3FAD]  }
0x2c: {  	s7 =	sld [smem:$0x3FAE]  }
0x2d: {  	s3 =	simm.s32 $0x108;
	s8 =	sld [smem:$0x3FAF]  }
0x2e: {  	s3 =	simm.s32 @!p0 $0x1082;
	s9 =	sld [smem:$0x3FB0]  }
0x2f: {  	lr =	sadd.s32 s0, s3;
	s0 =	sld [smem:$0x3FA7]  }
0x30: {  	s3 =	sld [smem:$0x3FAA]  }
0x31: {  	[smem:$0x3FB3] =	sst s10  }
0x32: {  	s10 =	sld [smem:$0x3FB1];
	_ =	sdelay $0x3  }
0x33: {  	p0 =	seq.s32 s10, $0x1;
	s10 =	sld [smem:$0x3FB3];
	_ =	sdelay $0x3  }
0x34: {  	[smem:$0x3FB3] =	sst s10  }
0x35: {  	s10 =	sld [smem:$0x3FB2];
	_ =	sdelay $0x3  }
0x36: {  	p1 =	seq.s32 s10, $0x1;
	s10 =	sld [smem:$0x3FB3];
	_ =	sdelay $0x3  }
0x37: {  	[smem:$0x3FB3] =	sst s10  }
0x38: {  	s10 =	sld [smem:$0x3FB4]  }
0x39: {  	_ = 	snop;
	(pc) =	sbr.ind lr, $3  }
0x3a: {  	_ = 	snop  }
0x3b: {  	_ = 	snop  }
0x3c: {  	p2 =	seq.s32 s10, $0x1;
	s10 =	sld [smem:$0x3FB3]  }
0x3d: {  	_ =	shalt  }
0x3e: {  	_ =	shalt  }
0x3f: {  	_ =	shalt  }
0x40: {  	_ =	shalt  }
0x41: {  	_ =	shalt  }
0x42: {  	_ =	shalt  }
0x43: {  	_ =	shalt  }
0x44: {  	_ =	shalt  }
0x45: {  	_ =	shalt  }
0x46: {  	_ =	shalt  }
0x47: {  	_ =	shalt  }
0x48: {  	_ =	shalt  }
0x49: {  	_ =	shalt  }
0x4a: {  	_ =	shalt  }
0x4b: {  	_ =	shalt  }
0x4c: {  	_ =	shalt  }
0x4d: {  	_ =	shalt  }
0x4e: {  	_ =	shalt  }
0x4f: {  	_ =	shalt  }
0x50: {  	_ =	shalt  }
0x51: {  	_ =	shalt  }
0x52: {  	_ =	shalt  }
0x53: {  	_ =	shalt  }
0x54: {  	_ =	shalt  }
0x55: {  	_ =	shalt  }
0x56: {  	_ =	shalt  }
0x57: {  	_ =	shalt  }
0x58: {  	_ =	shalt  }
0x59: {  	_ =	shalt  }
0x5a: {  	_ =	shalt  }
0x5b: {  	_ =	shalt  }
0x5c: {  	_ =	shalt  }
0x5d: {  	_ =	shalt  }
0x5e: {  	_ =	shalt  }
0x5f: {  	_ =	shalt  }
0x60: {  	_ =	shalt  }
0x61: {  	_ =	shalt  }
0x62: {  	_ =	shalt  }
0x63: {  	_ =	shalt  }
0x64: {  	_ =	shalt  }
0x65: {  	_ =	shalt  }
0x66: {  	_ =	shalt  }
0x67: {  	_ =	shalt  }
0x68: {  	_ =	shalt  }
0x69: {  	_ =	shalt  }
0x6a: {  	_ =	shalt  }
0x6b: {  	_ =	shalt  }
0x6c: {  	_ =	shalt  }
0x6d: {  	_ =	shalt  }
0x6e: {  	_ =	shalt  }
0x6f: {  	_ =	shalt  }
0x70: {  	_ =	shalt  }
0x71: {  	_ =	shalt  }
0x72: {  	_ =	shalt  }
0x73: {  	_ =	shalt  }
0x74: {  	_ =	shalt  }
0x75: {  	_ =	shalt  }
0x76: {  	_ =	shalt  }
0x77: {  	_ =	shalt  }
0x78: {  	_ =	shalt  }
0x79: {  	_ =	shalt  }
0x7a: {  	_ =	shalt  }
0x7b: {  	_ =	shalt  }
0x7c: {  	_ =	shalt  }
0x7d: {  	_ =	shalt  }
0x7e: {  	_ =	shalt  }
0x7f: {  	_ =	shalt  }
0x80: {  	_ =	shalt  }
0x81: {  	_ =	shalt  }
0x82: {  	_ =	shalt  }
0x83: {  	_ =	shalt  }
0x84: {  	_ =	shalt  }
0x85: {  	_ =	shalt  }
0x86: {  	_ =	shalt  }
0x87: {  	_ =	shalt  }
.Lfunc_end0:
.L_simem_size_0:
called_computation_lowered:
.L_overlay_start_0:
0x88: {  	s2 =	sld [smem:$0x3FD9]  }
0x89: {  	s3 =	sld [smem:$0x3FFE];
	_ =	sdelay $0x1  }
0x8a: {  	s1 =	srdreg.scid  }
0x8b: {  	s0 =	sand.u32 $0x1, s1  }
0x8c: {  	s17 =	sshll.u32 s0, $0xA;
	s2 =	sadd.s32 s3, s2  }
0x8d: {  	s2 =	sadd.s32 s2, s17  }
0x8e: {  	[smem:$0x3FBF] =	sst s2  }
0x8f: {  	_ = 	snop  }
0x90: {  	s2 =	sld [smem:$0x3FD0];
	(tm) =	ssettm $0x1  }
0x91: {  	s18 =	sld [smem:$0x3FFB];
	_ =	sdelay $0x3  }
0x92: {  	_ =	strace s18  }
0x93: {  	s3 =	sld [smem:$0x3FFC];
	_ =	sdelay $0x3  }
0x94: {  	_ =	strace s3  }
0x95: {  	s3 =	sld [smem:$0x3FFD];
	_ =	sdelay $0x3  }
0x96: {  	_ =	strace s3  }
0x97: {  	_ =	strace $0x8FFFFFFF  }
0x98: {  	s19 =	sld [smem:$0x3FDB];
	_ =	sdelay $0x1  }
0x99: {  	s4 =	simm.s32 $_scs_section_size  }
0x9a: {  	s5 =	simm.s32 $_size__tile_overlayer_lowered;
	s6 =	simm.s32 $_tile_overlayer_lowered  }
0x9b: {  	s22 =	simm.s32 $0x1BFF;
	s21 =	sshll.u32 s6, $0x1;
	s3 =	sadd.s32 s4, s19  }
0x9c: {  	s7 =	simm.s32 $0x0;
	s20 =	sshll.u32 s5, $0x1;
	s5 =	sadd.s32 s21, s3  }
0x9d: {  	[timem:s7], [sflag:s22] =	dma.local [hbm:s5], s20  }
0x9e: {  	_ =	swait.ge [sflag:s22], s20  }
0x9f: {  	s4 =	ssub.s32 $0x0, s20;
	[sflag:s22] =	ssyncset.done $0x0  }
0xa0: {  	[sflag:s22] =	ssyncadd.s32 s4;
	_ =	sdelay $0x1  }
0xa1: {  	s23 =	simm.s32 $0x1B8B  }
0xa2: {  	_ =	swait.ge [sflag:s23], $0x1  }
0xa3: {  	[sflag:s23] =	ssyncset.done $0x0  }
0xa4: {  	s25 =	simm.s32 $0x1B8E;
	s24 =	sld [smem:$0x3FFE];
	[sflag:s23] =	ssyncadd.s32 $0xFFFFFFFF  }
0xa5: {  	s26 =	simm.s32 $execute0_lowered;
	[smem:$0x3FD2] =	sst s25  }
0xa6: {  	s5 =	sshll.u32 s26, $0x1;
	_ =	strace $0x80000046;
	[dreg:$0x1] =	wrdreg $0xFFFFFFFF  }
0xa7: {  	s28 =	simm.s32 $_size_execute0_lowered;
	s3 =	sadd.s32 s3, s5;
	[dreg:$0x0] =	wrdreg $0x0  }
0xa8: {  	s5 =	sshll.u32 s28, $0x1;
	[dreg:$0x2] =	wrdreg s3  }
0xa9: {  	[dreg:$0x3] =	wrdreg s5  }
0xaa: {  	[dreg:$0x4] =	wrdreg $0xC0  }
0xab: {  	_ =	task [dreg:s7], $0x5FFFF  }
0xac: {  	[dreg:$0x1] =	wrdreg $0xFFFFFFFF  }
0xad: {  	[dreg:$0x0] =	wrdreg $0x60  }
0xae: {  	[dreg:$0x2] =	wrdreg s2  }
0xaf: {  	[dreg:$0x3] =	wrdreg s24  }
0xb0: {  	[dreg:$0x4] =	wrdreg $0x90000  }
0xb1: {  	[dreg:$0x5] =	wrdreg $0x1C9000  }
0xb2: {  	[dreg:$0x6] =	wrdreg $0x9  }
0xb3: {  	_ =	task.clear_ibuf [dreg:s7], $0x7FFFF;
	_ =	strace $0x90000046  }
0xb4: {  	s29 =	simm.s32 $0x9;
	_ =	strace $0x80000048  }
0xb5: {  	_ =	swait.ge [sflag:s29], $0x1  }
0xb6: {  	[sflag:s29] =	ssyncadd.s32 $0xFFFFFFFF  }
0xb7: {  	_ =	strace $0x90000048  }
0xb8: {  	_ =	sfence  }
0xb9: {  	s30 =	sld [smem:$0x0];
	_ =	sdelay $0x2  }
0xba: {  	s31 =	sshll.u32 s1, $0xD;
	s1 =	sshrl.u32 s1, $0x2  }
0xbb: {  	s3 =	sand.u32 $0x4000, s31;
	s1 =	sadd.s32 s1, s30  }
0xbc: {  	s0 =	sor.u32 s3, s0;
	s1 =	sshll.u32 s1, $0x11  }
0xbd: {  	s0 =	sor.u32 s1, s0  }
0xbe: {  	s0 =	sadd.s32 $0x8F2B, s0  }
0xbf: {  	[sflag:s0] =	ssyncadd.remote.s32 $0x1  }
0xc0: {  	_ =	sfence.sel $0xFFFF  }
0xc1: {  	[dreg:$0x0] =	wrdreg $0xFFFFFFFF;
	(pc) =	sbr.abs _section_cstart, $3  }
0xc2: {  	[dreg:$0x1] =	wrdreg $0xFFFFFFFF  }
0xc3: {  	_ =	task.clear_ibuf [dreg:s7], $0x2FFFF;
	_ =	strace $0x9FFFFFFF  }
0xc4: {  	(tm) =	ssettm $0x7FFFFFFF  }
0xc5: {  	_ =	shalt  }
tec
execute0_lowered:
.L_overlay_start_1:
0x0: {  	(tag) =	ssettag $0x1  }
0x1: {  	s1 =	rddreg [dreg:$0x0]  }
0x2: {  	s0 =	rddreg [dreg:$0x1]  }
0x3: {  	s2 =	rddreg [dreg:$0x2]  }
0x4: {  	s3 =	rddreg [dreg:$0x3];
	s5 =	simm.s32 $0x0  }
0x5: {  	s4 =	srdreg.scid;
	s6 =	stileid.u32;
	s22 =	simm.s32 $0x200  }
0x6: {  	s28 =	simm.s32 $0x1;
	s31 =	simm.s32 $0x600;
	[smem:$0x7FF] =	sst s5  }
0x7: {  	s4 =	sand.u32 $0x1, s4;
	s7 =	smul.u32 $0x13900, s6;
	s20 =	sadd.s32 $0x1400, s0  }
0x8: {  	s10 =	sadd.s32 $0x11000, s0;
	s23 =	sadd.s32 $0x10A00, s0;
	s24 =	smul.u32 $0x2720, s6  }
0x9: {  	s25 =	smul.u32 $0x9C80, s6;
	_ =	strace $0x80000047;
	[dreg:$0xd] =	wrdreg s10  }
0xa: {  	s11 =	sadd.s32 $0x10800, s0;
	s16 =	smul.u32 $0x2800, s6;
	[dreg:$0xe] =	wrdreg s23  }
0xb: {  	s8 =	sadd.s32 $0xB600, s0;
	s9 =	smul.u32 $0x139000, s4;
	[dreg:$0xf] =	wrdreg s11  }
0xc: {  	s12 =	ssub.s32 $0x2, s4;
	s13 =	smul.u32 $0x28200, s4;
	p0 =	sne.s32 s4, $0x0  }
0xd: {  	[dreg:$0x7] =	wrdreg s22;
	s23 =	simm.s32 $0x180;
	s22 =	simm.s32 $0x800  }
0xe: {  	s14 =	sshrl.u32 s24, $0x3;
	s15 =	sshrl.u32 s12, $0x1;
	s26 =	sshrl.u32 s25, $0x2  }
0xf: {  	s30 =	sshrl.u32 s16, $0x3;
	[dreg:$0x8] =	wrdreg s23;
	s25 =	simm.s32 $0x500  }
0x10: {  	s23 =	simm.s32 $0x4;
	s9 =	sadd.s32 s7, s9;
	s12 =	ssub.s32 s12, s15  }
0x11: {  	s7 =	sadd.s32 s7, s2;
	s29 =	sadd.s32 s16, s13;
	[dreg:$0x9] =	wrdreg s25  }
0x12: {  	s15 =	sadd.s32 s8, s30;
	s16 =	smul.u32 $0x500, s6;
	[dreg:$0x10] =	wrdreg s7  }
0x13: {  	s6 =	simm.s32 $0x3;
	s30 =	simm.s32 $0x700;
	[dreg:$0x12] =	wrdreg s15  }
0x14: {  	s25 =	simm.s32 $0x600;
	s19 =	smax.u32 s12, $0x1;
	[dreg:$0xc] =	wrdreg s30  }
0x15: {  	s7 =	sadd.s32 s26, s3;
	s21 =	sadd.s32 $0x400, s29;
	[dreg:$0x15] =	wrdreg s19  }
0x16: {  	s13 =	sshrl.u32 s29, $0x3;
	s26 =	simm.s32 $0x280;
	[dreg:$0x16] =	wrdreg s21  }
0x17: {  	s18 =	sadd.s32 $0x200, s29;
	s29 =	simm.s32 $0x380;
	[dreg:$0xa] =	wrdreg s26  }
0x18: {  	s9 =	sshrl.u32 s9, $0x3;
	s13 =	sadd.s32 s20, s13;
	[dreg:$0xb] =	wrdreg s29  }
0x19: {  	s9 =	sadd.s32 s9, s0;
	s8 =	sadd.s32 s16, s8;
	[dreg:$0x11] =	wrdreg s13  }
0x1a: {  	s0 =	sadd.s32 s14, s0;
	s4 =	sshrl.u32 @!p0 s7, $0x3;
	[dreg:$0x5] =	wrdreg s8  }
0x1b: {  	s21 =	simm.s32 $0x80;
	s0 =	sadd.s32 $0x61C00, s0;
	[dreg:$0x17] =	wrdreg s4  }
0x1c: {  	s17 =	sadd.s32 $0x13800, s9;
	[dreg:$0x14] =	wrdreg s0;
	s0 =	sshrl.u32 s18, $0x3  }
0x1d: {  	s9 =	sadd.s32 s24, s3;
	[dreg:$0x13] =	wrdreg s17;
	s0 =	sadd.s32 s0, s20  }
0x1e: {  	s26 =	simm.s32 $0x4800;
	[dreg:$0x6] =	wrdreg s0;
	s0 =	sshrl.u32 @!p0 s9, $0x3  }
0x1f: {  	s7 =	simm.s32 $0x0;
	s24 =	simm.s32 $0x400;
	[dreg:$0x18] =	wrdreg s0  }
.LBB2_1:
0x20: {  	[dreg:$0x19] =	wrdreg s7  }
0x21: {  	s0 =	rddreg [dreg:$0xf];
	s4 =	simm.s32 $0x8800  }
0x22: {  	[tilespmem:s4], [sflag:$0x3] =	stream.linear.gather [hbm4b:s0+s5], $0x800, $0x38;
	[tilespmem:$0x1F020] =	vst v63  }
0x23: {  	s9 =	stileid.u32;
	_ =	swait.ge [sflag:s6], $0x800  }
0x24: {  	s0 =	sshll.u32 s9, $0x6;
	s10 =	rddreg [dreg:$0x10]  }
0x25: {  	[sflag:s6] =	ssyncset.done $0x0;
	s12 =	rddreg [dreg:$0xd];
	s11 =	sshrl.u32 s10, $0x3  }
0x26: {  	s7 =	sor.u32 $0x1C03, s0;
	[sflag:s6] =	ssyncadd.s32 $0xFFFFF800;
	[dreg:$0x1b] =	wrdreg s11  }
0x27: {  	[spmem:s11], [sflag:s7] =	dma.local [hbm:s12], $0x2720  }
0x28: {  	_ =	swait.ge [sflag:s6], $0x2720;
	[dreg:$0x1a] =	wrdreg s7  }
0x29: {  	[sflag:s6] =	ssyncset.done $0x0;
	s0 =	rddreg [dreg:$0xe]  }
0x2a: {  	s4 =	rddreg [dreg:$0x17];
	[sflag:s6] =	ssyncadd.s32 $0xFFFFD8E0  }
0x2b: {  	[spmem:s4], [sflag:s7] =	dma.local @!p0 [hbm:s0], $0x4E4  }
0x2c: {  	s0 =	simm.s32 @!p0 $0x3  }
0x2d: {  	_ =	swait.ge @!p0 [sflag:s0], $0x4E4  }
0x2e: {  	[sflag:s0] =	ssyncset.done @!p0 $0x0  }
0x2f: {  	[sflag:s0] =	ssyncadd.s32 @!p0 $0xFFFFFB1C  }
0x30: {  	[bflag:$0x0] =	sbarrier.arrive $0xFFFF  }
0x31: {  	s13 =	rddreg [dreg:$0x11]  }
0x32: {  	[tilespmem:s5], [sflag:$0x3] =	stream.linear.gather [hbm4b:s13+s5], $0x200, $0x38;
	[tilespmem:$0x1F020] =	vst v63  }
0x33: {  	_ =	swait.ge [sflag:s6], $0x200  }
0x34: {  	[sflag:s6] =	ssyncset.done $0x0  }
0x35: {  	s14 =	rddreg [dreg:$0x12];
	[sflag:s6] =	ssyncadd.s32 $0xFFFFFE00  }
0x36: {  	[tilespmem:s24], [sflag:$0x3] =	stream.linear.gather [hbm4b:s14+s5], $0x200, $0x38;
	[tilespmem:$0x1F020] =	vst v63  }
0x37: {  	_ =	swait.ge [sflag:s6], $0x200  }
0x38: {  	[sflag:s6] =	ssyncset.done $0x0  }
0x39: {  	s15 =	rddreg [dreg:$0x6];
	[sflag:s6] =	ssyncadd.s32 $0xFFFFFE00  }
0x3a: {  	[tilespmem:s22], [sflag:$0x1] =	stream.indirect.gather [hbm4b:s1+s21], $0x80, s5, s21, $0xb8;
	[tilespmem:$0x1F020] =	vst v63  }
0x3b: {  	s16 =	rddreg [dreg:$0x7];
	s4 =	sadd.s32 $0x0, s15  }
0x3c: {  	[tilespmem:s16], [sflag:$0x4] =	stream.linear.gather [hbm4b:s4+s5], $0x200, $0x38;
	[tilespmem:$0x1F020] =	vst v63  }
0x3d: {  	_ =	swait.ge [sflag:s23], $0x200  }
0x3e: {  	s17 =	rddreg [dreg:$0x5]  }
0x3f: {  	[sflag:s23] =	ssyncset.done $0x0;
	s8 =	sadd.s32 $0x0, s17  }
0x40: {  	[sflag:s23] =	ssyncadd.s32 $0xFFFFFE00;
	s4 =	sadd.s32 $0x40, s8  }
0x41: {  	[tilespmem:s25], [sflag:$0x4] =	stream.linear.gather [hbm4b:s4+s5], $0x200, $0x38;
	[tilespmem:$0x1F020] =	vst v63  }
0x42: {  	_ =	swait.ge [sflag:s23], $0x200  }
0x43: {  	[sflag:s23] =	ssyncset.done $0x0  }
0x44: {  	[sflag:s23] =	ssyncadd.s32 $0xFFFFFE00  }
0x45: {  	[tilespmem:s26], [sflag:$0x2] =	stream.indirect.gather [hbm4b:s1+s21], $0x80, s21, s21, $0xb8;
	[tilespmem:$0x1F020] =	vst v63  }
0x46: {  	_ =	swait.ge [sflag:s28], $0x4000  }
0x47: {  	[sflag:s28] =	ssyncset.done $0x0  }
0x48: {  	[sflag:s28] =	ssyncadd.s32 $0xFFFFC000  }
0x49: {  	[spmem:s2] =	stream.indirect.scatter.add.f32 [tilespmem:s22], [sflag:$0x4], $0x80, s24, s21, $0xb8;
	[tilespmem:$0x1F020] =	vst v63  }
0x4a: {  	_ =	swait.ge [sflag:s23], $0x4000  }
0x4b: {  	s7 =	simm.s32 @p0 $0x80;
	s6 =	simm.s32 @p0 $0x100;
	[sflag:s23] =	ssyncset.done $0x0  }
0x4c: {  	s17 =	simm.s32 @p0 $0x800;
	s4 =	simm.s32 @p0 $0x2;
	[sflag:s23] =	ssyncadd.s32 $0xFFFFC000  }
0x4d: {  	[tilespmem:s17], [sflag:$0x1] =	stream.indirect.gather @p0 [hbm4b:s1+s7], $0x80, s6, s7, $0xb8;
	[tilespmem:$0x1F020] =	vst v63  }
0x4e: {  	_ =	swait.ge @p0 [sflag:s4], $0x4000  }
0x4f: {  	s9 =	simm.s32 @p0 $0x4;
	[sflag:s4] =	ssyncset.done @p0 $0x0  }
0x50: {  	s11 =	simm.s32 @p0 $0x4800;
	s6 =	simm.s32 @p0 $0x480;
	[sflag:s4] =	ssyncadd.s32 @p0 $0xFFFFC000  }
0x51: {  	[spmem:s2] =	stream.indirect.scatter.add.f32 @p0 [tilespmem:s11], [sflag:$0x4], $0x80, s6, s7, $0xb8;
	[tilespmem:$0x1F020] =	vst v63  }
0x52: {  	_ =	swait.ge @p0 [sflag:s9], $0x4000  }
0x53: {  	s12 =	simm.s32 @!p0 $0x8800;
	s13 =	simm.s32 @!p0 $0x4;
	[sflag:s9] =	ssyncset.done @p0 $0x0  }
0x54: {  	s14 =	simm.s32 @!p0 $0x80;
	s6 =	simm.s32 @!p0 $0x400;
	[sflag:s9] =	ssyncadd.s32 @p0 $0xFFFFC000  }
0x55: {  	[spmem:s3] =	stream.indirect.scatter.add.f32 @!p0 [tilespmem:s12], [sflag:$0x4], $0x10, s6, s14, $0xb8;
	[tilespmem:$0x1F020] =	vst v63  }
0x56: {  	_ =	swait.ge @!p0 [sflag:s13], $0x800  }
0x57: {  	s19 =	simm.s32 @!p0 $0x2;
	[sflag:s13] =	ssyncset.done @!p0 $0x0  }
0x58: {  	s16 =	simm.s32 @!p0 $0x800;
	s6 =	simm.s32 @!p0 $0x100;
	[sflag:s13] =	ssyncadd.s32 @!p0 $0xFFFFF800  }
0x59: {  	[tilespmem:s16], [sflag:$0x1] =	stream.indirect.gather @!p0 [hbm4b:s1+s14], $0x80, s6, s14, $0xb8;
	[tilespmem:$0x1F020] =	vst v63  }
0x5a: {  	_ =	swait.ge @!p0 [sflag:s19], $0x4000  }
0x5b: {  	[sflag:s19] =	ssyncset.done @!p0 $0x0  }
0x5c: {  	s30 =	simm.s32 @!p0 $0x4800;
	s6 =	simm.s32 @!p0 $0x480;
	[sflag:s19] =	ssyncadd.s32 @!p0 $0xFFFFC000  }
0x5d: {  	[spmem:s2] =	stream.indirect.scatter.add.f32 @!p0 [tilespmem:s30], [sflag:$0x4], $0x80, s6, s14, $0xb8;
	[tilespmem:$0x1F020] =	vst v63  }
0x5e: {  	_ =	swait.ge @!p0 [sflag:s13], $0x4000  }
0x5f: {  	[sflag:s13] =	ssyncset.done @!p0 $0x0  }
0x60: {  	[sflag:s13] =	ssyncadd.s32 @!p0 $0xFFFFC000  }
0x61: {  	[spmem:s3] =	stream.indirect.scatter.add.f32 @!p0 [tilespmem:s12], [sflag:$0x4], $0x10, s6, s14, $0xb8;
	[tilespmem:$0x1F020] =	vst v63  }
0x62: {  	_ =	swait.ge @!p0 [sflag:s13], $0x800  }
0x63: {  	[sflag:s13] =	ssyncset.done @!p0 $0x0  }
0x64: {  	s10 =	rddreg [dreg:$0x8];
	[sflag:s13] =	ssyncadd.s32 @!p0 $0xFFFFF800  }
0x65: {  	[tilespmem:s26], [sflag:$0x2] =	stream.indirect.gather [hbm4b:s1+s21], $0x80, s10, s21, $0xb8;
	[tilespmem:$0x1F020] =	vst v63  }
0x66: {  	_ =	swait.ge [sflag:s28], $0x4000  }
0x67: {  	[sflag:s28] =	ssyncset.done $0x0  }
0x68: {  	s18 =	rddreg [dreg:$0x9];
	[sflag:s28] =	ssyncadd.s32 $0xFFFFC000  }
0x69: {  	[spmem:s2] =	stream.indirect.scatter.add.f32 [tilespmem:s22], [sflag:$0x4], $0x80, s18, s21, $0xb8;
	[tilespmem:$0x1F020] =	vst v63  }
0x6a: {  	_ =	swait.ge [sflag:s23], $0x4000  }
0x6b: {  	[sflag:s23] =	ssyncset.done $0x0  }
0x6c: {  	s6 =	simm.s32 @p0 $0x200;
	[sflag:s23] =	ssyncadd.s32 $0xFFFFC000  }
0x6d: {  	[tilespmem:s17], [sflag:$0x1] =	stream.indirect.gather @p0 [hbm4b:s1+s7], $0x80, s6, s7, $0xb8;
	[tilespmem:$0x1F020] =	vst v63  }
0x6e: {  	_ =	swait.ge @p0 [sflag:s4], $0x4000  }
0x6f: {  	[sflag:s4] =	ssyncset.done @p0 $0x0  }
0x70: {  	s6 =	simm.s32 @p0 $0x580;
	[sflag:s4] =	ssyncadd.s32 @p0 $0xFFFFC000  }
0x71: {  	[spmem:s2] =	stream.indirect.scatter.add.f32 @p0 [tilespmem:s11], [sflag:$0x4], $0x80, s6, s7, $0xb8;
	[tilespmem:$0x1F020] =	vst v63  }
0x72: {  	_ =	swait.ge @p0 [sflag:s9], $0x4000  }
0x73: {  	[sflag:s9] =	ssyncset.done @p0 $0x0  }
0x74: {  	s6 =	simm.s32 @!p0 $0x500;
	[sflag:s9] =	ssyncadd.s32 @p0 $0xFFFFC000  }
0x75: {  	[spmem:s3] =	stream.indirect.scatter.add.f32 @!p0 [tilespmem:s12], [sflag:$0x4], $0x10, s6, s14, $0xb8;
	[tilespmem:$0x1F020] =	vst v63  }
0x76: {  	_ =	swait.ge @!p0 [sflag:s13], $0x800  }
0x77: {  	[sflag:s13] =	ssyncset.done @!p0 $0x0  }
0x78: {  	s6 =	simm.s32 @!p0 $0x200;
	[sflag:s13] =	ssyncadd.s32 @!p0 $0xFFFFF800  }
0x79: {  	[tilespmem:s16], [sflag:$0x1] =	stream.indirect.gather @!p0 [hbm4b:s1+s14], $0x80, s6, s14, $0xb8;
	[tilespmem:$0x1F020] =	vst v63  }
0x7a: {  	_ =	swait.ge @!p0 [sflag:s19], $0x4000  }
0x7b: {  	[sflag:s19] =	ssyncset.done @!p0 $0x0  }
0x7c: {  	s15 =	simm.s32 @!p0 $0x580;
	[sflag:s19] =	ssyncadd.s32 @!p0 $0xFFFFC000  }
0x7d: {  	[spmem:s2] =	stream.indirect.scatter.add.f32 @!p0 [tilespmem:s30], [sflag:$0x4], $0x80, s15, s14, $0xb8;
	[tilespmem:$0x1F020] =	vst v63  }
0x7e: {  	_ =	swait.ge @!p0 [sflag:s13], $0x4000  }
0x7f: {  	[sflag:s13] =	ssyncset.done @!p0 $0x0  }
0x80: {  	[sflag:s13] =	ssyncadd.s32 @!p0 $0xFFFFC000  }
0x81: {  	[spmem:s3] =	stream.indirect.scatter.add.f32 @!p0 [tilespmem:s12], [sflag:$0x4], $0x10, s15, s14, $0xb8;
	[tilespmem:$0x1F020] =	vst v63  }
0x82: {  	_ =	swait.ge @!p0 [sflag:s13], $0x800  }
0x83: {  	s18 =	rddreg [dreg:$0x16]  }
0x84: {  	[sflag:s13] =	ssyncset.done @!p0 $0x0;
	s6 =	sshrl.u32 s18, $0x3  }
0x85: {  	[sflag:s13] =	ssyncadd.s32 @!p0 $0xFFFFF800;
	s10 =	sadd.s32 s20, s6  }
0x86: {  	[tilespmem:s5], [sflag:$0x4] =	stream.linear.gather [hbm4b:s10+s5], $0x200, $0x38;
	[tilespmem:$0x1F020] =	vst v63  }
0x87: {  	_ =	swait.ge [sflag:s23], $0x200  }
0x88: {  	[sflag:s23] =	ssyncset.done $0x0  }
0x89: {  	s8 =	sadd.s32 $0x80, s8;
	[sflag:s23] =	ssyncadd.s32 $0xFFFFFE00  }
0x8a: {  	[tilespmem:s24], [sflag:$0x4] =	stream.linear.gather [hbm4b:s8+s5], $0x200, $0x38;
	[tilespmem:$0x1F020] =	vst v63  }
0x8b: {  	_ =	swait.ge [sflag:s23], $0x200  }
0x8c: {  	[sflag:s23] =	ssyncset.done $0x0  }
0x8d: {  	s10 =	rddreg [dreg:$0xa];
	[sflag:s23] =	ssyncadd.s32 $0xFFFFFE00  }
0x8e: {  	[tilespmem:s26], [sflag:$0x2] =	stream.indirect.gather [hbm4b:s1+s21], $0x80, s10, s21, $0xb8;
	[tilespmem:$0x1F020] =	vst v63  }
0x8f: {  	_ =	swait.ge [sflag:s28], $0x4000  }
0x90: {  	[sflag:s28] =	ssyncset.done $0x0  }
0x91: {  	[sflag:s28] =	ssyncadd.s32 $0xFFFFC000  }
0x92: {  	[spmem:s2] =	stream.indirect.scatter.add.f32 [tilespmem:s22], [sflag:$0x4], $0x80, s25, s21, $0xb8;
	[tilespmem:$0x1F020] =	vst v63  }
0x93: {  	_ =	swait.ge [sflag:s23], $0x4000  }
0x94: {  	[sflag:s23] =	ssyncset.done $0x0  }
0x95: {  	s6 =	simm.s32 @p0 $0x300;
	[sflag:s23] =	ssyncadd.s32 $0xFFFFC000  }
0x96: {  	[tilespmem:s17], [sflag:$0x1] =	stream.indirect.gather @p0 [hbm4b:s1+s7], $0x80, s6, s7, $0xb8;
	[tilespmem:$0x1F020] =	vst v63  }
0x97: {  	_ =	swait.ge @p0 [sflag:s4], $0x4000  }
0x98: {  	[sflag:s4] =	ssyncset.done @p0 $0x0  }
0x99: {  	s6 =	simm.s32 @p0 $0x680;
	[sflag:s4] =	ssyncadd.s32 @p0 $0xFFFFC000  }
0x9a: {  	[spmem:s2] =	stream.indirect.scatter.add.f32 @p0 [tilespmem:s11], [sflag:$0x4], $0x80, s6, s7, $0xb8;
	[tilespmem:$0x1F020] =	vst v63  }
0x9b: {  	_ =	swait.ge @p0 [sflag:s9], $0x4000  }
0x9c: {  	[sflag:s9] =	ssyncset.done @p0 $0x0  }
0x9d: {  	s6 =	simm.s32 @!p0 $0x600;
	[sflag:s9] =	ssyncadd.s32 @p0 $0xFFFFC000  }
0x9e: {  	[spmem:s3] =	stream.indirect.scatter.add.f32 @!p0 [tilespmem:s12], [sflag:$0x4], $0x10, s6, s14, $0xb8;
	[tilespmem:$0x1F020] =	vst v63  }
0x9f: {  	_ =	swait.ge @!p0 [sflag:s13], $0x800  }
0xa0: {  	[sflag:s13] =	ssyncset.done @!p0 $0x0  }
0xa1: {  	s6 =	simm.s32 @!p0 $0x300;
	[sflag:s13] =	ssyncadd.s32 @!p0 $0xFFFFF800  }
0xa2: {  	[tilespmem:s16], [sflag:$0x1] =	stream.indirect.gather @!p0 [hbm4b:s1+s14], $0x80, s6, s14, $0xb8;
	[tilespmem:$0x1F020] =	vst v63  }
0xa3: {  	_ =	swait.ge @!p0 [sflag:s19], $0x4000  }
0xa4: {  	[sflag:s19] =	ssyncset.done @!p0 $0x0  }
0xa5: {  	s10 =	simm.s32 @!p0 $0x680;
	[sflag:s19] =	ssyncadd.s32 @!p0 $0xFFFFC000  }
0xa6: {  	[spmem:s2] =	stream.indirect.scatter.add.f32 @!p0 [tilespmem:s30], [sflag:$0x4], $0x80, s10, s14, $0xb8;
	[tilespmem:$0x1F020] =	vst v63  }
0xa7: {  	_ =	swait.ge @!p0 [sflag:s13], $0x4000  }
0xa8: {  	[sflag:s13] =	ssyncset.done @!p0 $0x0  }
0xa9: {  	[sflag:s13] =	ssyncadd.s32 @!p0 $0xFFFFC000  }
0xaa: {  	[spmem:s3] =	stream.indirect.scatter.add.f32 @!p0 [tilespmem:s12], [sflag:$0x4], $0x10, s10, s14, $0xb8;
	[tilespmem:$0x1F020] =	vst v63  }
0xab: {  	_ =	swait.ge @!p0 [sflag:s13], $0x800  }
0xac: {  	[sflag:s13] =	ssyncset.done @!p0 $0x0  }
0xad: {  	s24 =	rddreg [dreg:$0xb];
	[sflag:s13] =	ssyncadd.s32 @!p0 $0xFFFFF800  }
0xae: {  	[tilespmem:s26], [sflag:$0x2] =	stream.indirect.gather [hbm4b:s1+s21], $0x80, s24, s21, $0xb8;
	[tilespmem:$0x1F020] =	vst v63  }
0xaf: {  	_ =	swait.ge [sflag:s28], $0x4000  }
0xb0: {  	[sflag:s28] =	ssyncset.done $0x0  }
0xb1: {  	s25 =	rddreg [dreg:$0xc];
	[sflag:s28] =	ssyncadd.s32 $0xFFFFC000  }
0xb2: {  	[spmem:s2] =	stream.indirect.scatter.add.f32 [tilespmem:s22], [sflag:$0x4], $0x80, s25, s21, $0xb8;
	[tilespmem:$0x1F020] =	vst v63  }
0xb3: {  	_ =	swait.ge [sflag:s23], $0x4000  }
0xb4: {  	[sflag:s23] =	ssyncset.done $0x0  }
0xb5: {  	s6 =	simm.s32 @p0 $0x0;
	[sflag:s23] =	ssyncadd.s32 $0xFFFFC000  }
0xb6: {  	[tilespmem:s17], [sflag:$0x1] =	stream.indirect.gather @p0 [hbm4b:s1+s7], $0x80, s6, s7, $0xb8;
	[tilespmem:$0x1F020] =	vst v63  }
0xb7: {  	_ =	swait.ge @p0 [sflag:s4], $0x4000  }
0xb8: {  	[sflag:s4] =	ssyncset.done @p0 $0x0  }
0xb9: {  	s6 =	simm.s32 @p0 $0x780;
	[sflag:s4] =	ssyncadd.s32 @p0 $0xFFFFC000  }
0xba: {  	[spmem:s2] =	stream.indirect.scatter.add.f32 @p0 [tilespmem:s11], [sflag:$0x4], $0x80, s6, s7, $0xb8;
	[tilespmem:$0x1F020] =	vst v63  }
0xbb: {  	_ =	swait.ge @p0 [sflag:s9], $0x4000  }
0xbc: {  	[sflag:s9] =	ssyncset.done @p0 $0x0  }
0xbd: {  	s6 =	simm.s32 @!p0 $0x700;
	[sflag:s9] =	ssyncadd.s32 @p0 $0xFFFFC000  }
0xbe: {  	[spmem:s3] =	stream.indirect.scatter.add.f32 @!p0 [tilespmem:s12], [sflag:$0x4], $0x10, s6, s14, $0xb8;
	[tilespmem:$0x1F020] =	vst v63  }
0xbf: {  	_ =	swait.ge @!p0 [sflag:s13], $0x800  }
0xc0: {  	[sflag:s13] =	ssyncset.done @!p0 $0x0  }
0xc1: {  	s6 =	simm.s32 @!p0 $0x0;
	[sflag:s13] =	ssyncadd.s32 @!p0 $0xFFFFF800  }
0xc2: {  	[tilespmem:s16], [sflag:$0x1] =	stream.indirect.gather @!p0 [hbm4b:s1+s14], $0x80, s6, s14, $0xb8;
	[tilespmem:$0x1F020] =	vst v63  }
0xc3: {  	_ =	swait.ge @!p0 [sflag:s19], $0x4000  }
0xc4: {  	[sflag:s19] =	ssyncset.done @!p0 $0x0  }
0xc5: {  	s25 =	simm.s32 @!p0 $0x780;
	[sflag:s19] =	ssyncadd.s32 @!p0 $0xFFFFC000  }
0xc6: {  	[spmem:s2] =	stream.indirect.scatter.add.f32 @!p0 [tilespmem:s30], [sflag:$0x4], $0x80, s25, s14, $0xb8;
	[tilespmem:$0x1F020] =	vst v63  }
0xc7: {  	_ =	swait.ge @!p0 [sflag:s13], $0x4000  }
0xc8: {  	[sflag:s13] =	ssyncset.done @!p0 $0x0  }
0xc9: {  	[sflag:s13] =	ssyncadd.s32 @!p0 $0xFFFFC000  }
0xca: {  	[spmem:s3] =	stream.indirect.scatter.add.f32 @!p0 [tilespmem:s12], [sflag:$0x3], $0x10, s25, s14, $0xb8;
	[tilespmem:$0x1F020] =	vst v63  }
0xcb: {  	s29 =	simm.s32 $0x80;
	_ =	swait.ge @!p0 [sflag:s0], $0x800  }
.LBB2_2:
0xcc: {  	s8 =	rddreg [dreg:$0x6]  }
0xcd: {  	s6 =	smov.u32 s29;
	s24 =	smov.u32 s20;
	[sflag:s0] =	ssyncset.done @!p0 $0x0  }
0xce: {  	s20 =	rddreg [dreg:$0x7];
	s8 =	sadd.s32 s6, s8;
	[sflag:s0] =	ssyncadd.s32 @!p0 $0xFFFFF800  }
0xcf: {  	[tilespmem:s20], [sflag:$0x4] =	stream.linear.gather [hbm4b:s8+s5], $0x200, $0x38;
	[tilespmem:$0x1F020] =	vst v63  }
0xd0: {  	_ =	swait.ge [sflag:s23], $0x200  }
0xd1: {  	s8 =	rddreg [dreg:$0x5]  }
0xd2: {  	[sflag:s23] =	ssyncset.done $0x0;
	s8 =	sadd.s32 s6, s8  }
0xd3: {  	[sflag:s23] =	ssyncadd.s32 $0xFFFFFE00;
	s6 =	sadd.s32 $0x40, s8  }
0xd4: {  	[tilespmem:s31], [sflag:$0x4] =	stream.linear.gather [hbm4b:s6+s5], $0x200, $0x38;
	[tilespmem:$0x1F020] =	vst v63  }
0xd5: {  	_ =	swait.ge [sflag:s23], $0x200  }
0xd6: {  	[sflag:s23] =	ssyncset.done $0x0  }
0xd7: {  	[sflag:s23] =	ssyncadd.s32 $0xFFFFFE00  }
0xd8: {  	[tilespmem:s26], [sflag:$0x2] =	stream.indirect.gather [hbm4b:s1+s21], $0x80, s21, s21, $0xb8;
	[tilespmem:$0x1F020] =	vst v63  }
0xd9: {  	_ =	swait.ge [sflag:s28], $0x4000  }
0xda: {  	[sflag:s28] =	ssyncset.done $0x0  }
0xdb: {  	s20 =	smov.u32 s24;
	s24 =	simm.s32 $0x400;
	[sflag:s28] =	ssyncadd.s32 $0xFFFFC000  }
0xdc: {  	[spmem:s2] =	stream.indirect.scatter.add.f32 [tilespmem:s22], [sflag:$0x4], $0x80, s24, s21, $0xb8;
	[tilespmem:$0x1F020] =	vst v63  }
0xdd: {  	_ =	swait.ge [sflag:s23], $0x4000  }
0xde: {  	[sflag:s23] =	ssyncset.done $0x0  }
0xdf: {  	s6 =	simm.s32 @p0 $0x100;
	[sflag:s23] =	ssyncadd.s32 $0xFFFFC000  }
0xe0: {  	[tilespmem:s17], [sflag:$0x1] =	stream.indirect.gather @p0 [hbm4b:s1+s7], $0x80, s6, s7, $0xb8;
	[tilespmem:$0x1F020] =	vst v63  }
0xe1: {  	_ =	swait.ge @p0 [sflag:s4], $0x4000  }
0xe2: {  	[sflag:s4] =	ssyncset.done @p0 $0x0  }
0xe3: {  	s6 =	simm.s32 @p0 $0x480;
	[sflag:s4] =	ssyncadd.s32 @p0 $0xFFFFC000  }
0xe4: {  	[spmem:s2] =	stream.indirect.scatter.add.f32 @p0 [tilespmem:s11], [sflag:$0x4], $0x80, s6, s7, $0xb8;
	[tilespmem:$0x1F020] =	vst v63  }
0xe5: {  	_ =	swait.ge @p0 [sflag:s9], $0x4000  }
0xe6: {  	[sflag:s9] =	ssyncset.done @p0 $0x0  }
0xe7: {  	s6 =	simm.s32 @!p0 $0x400;
	[sflag:s9] =	ssyncadd.s32 @p0 $0xFFFFC000  }
0xe8: {  	[spmem:s3] =	stream.indirect.scatter.add.f32 @!p0 [tilespmem:s12], [sflag:$0x4], $0x10, s6, s14, $0xb8;
	[tilespmem:$0x1F020] =	vst v63  }
0xe9: {  	_ =	swait.ge @!p0 [sflag:s13], $0x800  }
0xea: {  	[sflag:s13] =	ssyncset.done @!p0 $0x0  }
0xeb: {  	s6 =	simm.s32 @!p0 $0x100;
	[sflag:s13] =	ssyncadd.s32 @!p0 $0xFFFFF800  }
0xec: {  	[tilespmem:s16], [sflag:$0x1] =	stream.indirect.gather @!p0 [hbm4b:s1+s14], $0x80, s6, s14, $0xb8;
	[tilespmem:$0x1F020] =	vst v63  }
0xed: {  	_ =	swait.ge @!p0 [sflag:s19], $0x4000  }
0xee: {  	[sflag:s19] =	ssyncset.done @!p0 $0x0  }
0xef: {  	s6 =	simm.s32 @!p0 $0x480;
	[sflag:s19] =	ssyncadd.s32 @!p0 $0xFFFFC000  }
0xf0: {  	[spmem:s2] =	stream.indirect.scatter.add.f32 @!p0 [tilespmem:s30], [sflag:$0x4], $0x80, s6, s14, $0xb8;
	[tilespmem:$0x1F020] =	vst v63  }
0xf1: {  	_ =	swait.ge @!p0 [sflag:s13], $0x4000  }
0xf2: {  	[sflag:s13] =	ssyncset.done @!p0 $0x0  }
0xf3: {  	[sflag:s13] =	ssyncadd.s32 @!p0 $0xFFFFC000  }
0xf4: {  	[spmem:s3] =	stream.indirect.scatter.add.f32 @!p0 [tilespmem:s12], [sflag:$0x4], $0x10, s6, s14, $0xb8;
	[tilespmem:$0x1F020] =	vst v63  }
0xf5: {  	_ =	swait.ge @!p0 [sflag:s13], $0x800  }
0xf6: {  	[sflag:s13] =	ssyncset.done @!p0 $0x0  }
0xf7: {  	s6 =	rddreg [dreg:$0x8];
	[sflag:s13] =	ssyncadd.s32 @!p0 $0xFFFFF800  }
0xf8: {  	[tilespmem:s26], [sflag:$0x2] =	stream.indirect.gather [hbm4b:s1+s21], $0x80, s6, s21, $0xb8;
	[tilespmem:$0x1F020] =	vst v63  }
0xf9: {  	_ =	swait.ge [sflag:s28], $0x4000  }
0xfa: {  	[sflag:s28] =	ssyncset.done $0x0  }
0xfb: {  	s6 =	rddreg [dreg:$0x9];
	[sflag:s28] =	ssyncadd.s32 $0xFFFFC000  }
0xfc: {  	[spmem:s2] =	stream.indirect.scatter.add.f32 [tilespmem:s22], [sflag:$0x4], $0x80, s6, s21, $0xb8;
	[tilespmem:$0x1F020] =	vst v63  }
0xfd: {  	_ =	swait.ge [sflag:s23], $0x4000  }
0xfe: {  	[sflag:s23] =	ssyncset.done $0x0  }
0xff: {  	s6 =	simm.s32 @p0 $0x200;
	[sflag:s23] =	ssyncadd.s32 $0xFFFFC000  }
0x100: {  	[tilespmem:s17], [sflag:$0x1] =	stream.indirect.gather @p0 [hbm4b:s1+s7], $0x80, s6, s7, $0xb8;
	[tilespmem:$0x1F020] =	vst v63  }
0x101: {  	_ =	swait.ge @p0 [sflag:s4], $0x4000  }
0x102: {  	[sflag:s4] =	ssyncset.done @p0 $0x0  }
0x103: {  	s6 =	simm.s32 @p0 $0x580;
	[sflag:s4] =	ssyncadd.s32 @p0 $0xFFFFC000  }
0x104: {  	[spmem:s2] =	stream.indirect.scatter.add.f32 @p0 [tilespmem:s11], [sflag:$0x4], $0x80, s6, s7, $0xb8;
	[tilespmem:$0x1F020] =	vst v63  }
0x105: {  	_ =	swait.ge @p0 [sflag:s9], $0x4000  }
0x106: {  	[sflag:s9] =	ssyncset.done @p0 $0x0  }
0x107: {  	s6 =	simm.s32 @!p0 $0x500;
	[sflag:s9] =	ssyncadd.s32 @p0 $0xFFFFC000  }
0x108: {  	[spmem:s3] =	stream.indirect.scatter.add.f32 @!p0 [tilespmem:s12], [sflag:$0x4], $0x10, s6, s14, $0xb8;
	[tilespmem:$0x1F020] =	vst v63  }
0x109: {  	_ =	swait.ge @!p0 [sflag:s13], $0x800  }
0x10a: {  	[sflag:s13] =	ssyncset.done @!p0 $0x0  }
0x10b: {  	s6 =	simm.s32 @!p0 $0x200;
	[sflag:s13] =	ssyncadd.s32 @!p0 $0xFFFFF800  }
0x10c: {  	[tilespmem:s16], [sflag:$0x1] =	stream.indirect.gather @!p0 [hbm4b:s1+s14], $0x80, s6, s14, $0xb8;
	[tilespmem:$0x1F020] =	vst v63  }
0x10d: {  	_ =	swait.ge @!p0 [sflag:s19], $0x4000  }
0x10e: {  	[sflag:s19] =	ssyncset.done @!p0 $0x0  }
0x10f: {  	[sflag:s19] =	ssyncadd.s32 @!p0 $0xFFFFC000  }
0x110: {  	[spmem:s2] =	stream.indirect.scatter.add.f32 @!p0 [tilespmem:s30], [sflag:$0x4], $0x80, s15, s14, $0xb8;
	[tilespmem:$0x1F020] =	vst v63  }
0x111: {  	_ =	swait.ge @!p0 [sflag:s13], $0x4000  }
0x112: {  	[sflag:s13] =	ssyncset.done @!p0 $0x0  }
0x113: {  	[sflag:s13] =	ssyncadd.s32 @!p0 $0xFFFFC000  }
0x114: {  	[spmem:s3] =	stream.indirect.scatter.add.f32 @!p0 [tilespmem:s12], [sflag:$0x4], $0x10, s15, s14, $0xb8;
	[tilespmem:$0x1F020] =	vst v63  }
0x115: {  	s18 =	sadd.s32 $0x400, s18;
	_ =	swait.ge @!p0 [sflag:s13], $0x800  }
0x116: {  	s6 =	sshrl.u32 s18, $0x3;
	[sflag:s13] =	ssyncset.done @!p0 $0x0  }
0x117: {  	s6 =	sadd.s32 s20, s6;
	[sflag:s13] =	ssyncadd.s32 @!p0 $0xFFFFF800  }
0x118: {  	[tilespmem:s5], [sflag:$0x4] =	stream.linear.gather [hbm4b:s6+s5], $0x200, $0x38;
	[tilespmem:$0x1F020] =	vst v63  }
0x119: {  	_ =	swait.ge [sflag:s23], $0x200  }
0x11a: {  	[sflag:s23] =	ssyncset.done $0x0  }
0x11b: {  	s8 =	sadd.s32 $0x80, s8;
	[sflag:s23] =	ssyncadd.s32 $0xFFFFFE00  }
0x11c: {  	[tilespmem:s24], [sflag:$0x4] =	stream.linear.gather [hbm4b:s8+s5], $0x200, $0x38;
	[tilespmem:$0x1F020] =	vst v63  }
0x11d: {  	_ =	swait.ge [sflag:s23], $0x200  }
0x11e: {  	[sflag:s23] =	ssyncset.done $0x0  }
0x11f: {  	s8 =	rddreg [dreg:$0xa];
	[sflag:s23] =	ssyncadd.s32 $0xFFFFFE00  }
0x120: {  	[tilespmem:s26], [sflag:$0x2] =	stream.indirect.gather [hbm4b:s1+s21], $0x80, s8, s21, $0xb8;
	[tilespmem:$0x1F020] =	vst v63  }
0x121: {  	_ =	swait.ge [sflag:s28], $0x4000  }
0x122: {  	[sflag:s28] =	ssyncset.done $0x0  }
0x123: {  	[sflag:s28] =	ssyncadd.s32 $0xFFFFC000  }
0x124: {  	[spmem:s2] =	stream.indirect.scatter.add.f32 [tilespmem:s22], [sflag:$0x4], $0x80, s31, s21, $0xb8;
	[tilespmem:$0x1F020] =	vst v63  }
0x125: {  	_ =	swait.ge [sflag:s23], $0x4000  }
0x126: {  	[sflag:s23] =	ssyncset.done $0x0  }
0x127: {  	s6 =	simm.s32 @p0 $0x300;
	[sflag:s23] =	ssyncadd.s32 $0xFFFFC000  }
0x128: {  	[tilespmem:s17], [sflag:$0x1] =	stream.indirect.gather @p0 [hbm4b:s1+s7], $0x80, s6, s7, $0xb8;
	[tilespmem:$0x1F020] =	vst v63  }
0x129: {  	_ =	swait.ge @p0 [sflag:s4], $0x4000  }
0x12a: {  	[sflag:s4] =	ssyncset.done @p0 $0x0  }
0x12b: {  	s6 =	simm.s32 @p0 $0x680;
	[sflag:s4] =	ssyncadd.s32 @p0 $0xFFFFC000  }
0x12c: {  	[spmem:s2] =	stream.indirect.scatter.add.f32 @p0 [tilespmem:s11], [sflag:$0x4], $0x80, s6, s7, $0xb8;
	[tilespmem:$0x1F020] =	vst v63  }
0x12d: {  	_ =	swait.ge @p0 [sflag:s9], $0x4000  }
0x12e: {  	[sflag:s9] =	ssyncset.done @p0 $0x0  }
0x12f: {  	s6 =	simm.s32 @!p0 $0x600;
	[sflag:s9] =	ssyncadd.s32 @p0 $0xFFFFC000  }
0x130: {  	[spmem:s3] =	stream.indirect.scatter.add.f32 @!p0 [tilespmem:s12], [sflag:$0x4], $0x10, s6, s14, $0xb8;
	[tilespmem:$0x1F020] =	vst v63  }
0x131: {  	_ =	swait.ge @!p0 [sflag:s13], $0x800  }
0x132: {  	[sflag:s13] =	ssyncset.done @!p0 $0x0  }
0x133: {  	s6 =	simm.s32 @!p0 $0x300;
	[sflag:s13] =	ssyncadd.s32 @!p0 $0xFFFFF800  }
0x134: {  	[tilespmem:s16], [sflag:$0x1] =	stream.indirect.gather @!p0 [hbm4b:s1+s14], $0x80, s6, s14, $0xb8;
	[tilespmem:$0x1F020] =	vst v63  }
0x135: {  	_ =	swait.ge @!p0 [sflag:s19], $0x4000  }
0x136: {  	[sflag:s19] =	ssyncset.done @!p0 $0x0  }
0x137: {  	[sflag:s19] =	ssyncadd.s32 @!p0 $0xFFFFC000  }
0x138: {  	[spmem:s2] =	stream.indirect.scatter.add.f32 @!p0 [tilespmem:s30], [sflag:$0x4], $0x80, s10, s14, $0xb8;
	[tilespmem:$0x1F020] =	vst v63  }
0x139: {  	_ =	swait.ge @!p0 [sflag:s13], $0x4000  }
0x13a: {  	[sflag:s13] =	ssyncset.done @!p0 $0x0  }
0x13b: {  	[sflag:s13] =	ssyncadd.s32 @!p0 $0xFFFFC000  }
0x13c: {  	[spmem:s3] =	stream.indirect.scatter.add.f32 @!p0 [tilespmem:s12], [sflag:$0x4], $0x10, s10, s14, $0xb8;
	[tilespmem:$0x1F020] =	vst v63  }
0x13d: {  	_ =	swait.ge @!p0 [sflag:s13], $0x800  }
0x13e: {  	[sflag:s13] =	ssyncset.done @!p0 $0x0  }
0x13f: {  	s8 =	rddreg [dreg:$0xb];
	[sflag:s13] =	ssyncadd.s32 @!p0 $0xFFFFF800  }
0x140: {  	[tilespmem:s26], [sflag:$0x2] =	stream.indirect.gather [hbm4b:s1+s21], $0x80, s8, s21, $0xb8;
	[tilespmem:$0x1F020] =	vst v63  }
0x141: {  	_ =	swait.ge [sflag:s28], $0x4000  }
0x142: {  	[sflag:s28] =	ssyncset.done $0x0  }
0x143: {  	s8 =	rddreg [dreg:$0xc];
	[sflag:s28] =	ssyncadd.s32 $0xFFFFC000  }
0x144: {  	[spmem:s2] =	stream.indirect.scatter.add.f32 [tilespmem:s22], [sflag:$0x4], $0x80, s8, s21, $0xb8;
	[tilespmem:$0x1F020] =	vst v63  }
0x145: {  	_ =	swait.ge [sflag:s23], $0x4000  }
0x146: {  	[sflag:s23] =	ssyncset.done $0x0  }
0x147: {  	s6 =	simm.s32 @p0 $0x0;
	[sflag:s23] =	ssyncadd.s32 $0xFFFFC000  }
0x148: {  	[tilespmem:s17], [sflag:$0x1] =	stream.indirect.gather @p0 [hbm4b:s1+s7], $0x80, s6, s7, $0xb8;
	[tilespmem:$0x1F020] =	vst v63  }
0x149: {  	_ =	swait.ge @p0 [sflag:s4], $0x4000  }
0x14a: {  	[sflag:s4] =	ssyncset.done @p0 $0x0  }
0x14b: {  	s6 =	simm.s32 @p0 $0x780;
	[sflag:s4] =	ssyncadd.s32 @p0 $0xFFFFC000  }
0x14c: {  	[spmem:s2] =	stream.indirect.scatter.add.f32 @p0 [tilespmem:s11], [sflag:$0x4], $0x80, s6, s7, $0xb8;
	[tilespmem:$0x1F020] =	vst v63  }
0x14d: {  	_ =	swait.ge @p0 [sflag:s9], $0x4000  }
0x14e: {  	[sflag:s9] =	ssyncset.done @p0 $0x0  }
0x14f: {  	s6 =	simm.s32 @!p0 $0x700;
	[sflag:s9] =	ssyncadd.s32 @p0 $0xFFFFC000  }
0x150: {  	[spmem:s3] =	stream.indirect.scatter.add.f32 @!p0 [tilespmem:s12], [sflag:$0x4], $0x10, s6, s14, $0xb8;
	[tilespmem:$0x1F020] =	vst v63  }
0x151: {  	_ =	swait.ge @!p0 [sflag:s13], $0x800  }
0x152: {  	[sflag:s13] =	ssyncset.done @!p0 $0x0  }
0x153: {  	s6 =	simm.s32 @!p0 $0x0;
	[sflag:s13] =	ssyncadd.s32 @!p0 $0xFFFFF800  }
0x154: {  	[tilespmem:s16], [sflag:$0x1] =	stream.indirect.gather @!p0 [hbm4b:s1+s14], $0x80, s6, s14, $0xb8;
	[tilespmem:$0x1F020] =	vst v63  }
0x155: {  	_ =	swait.ge @!p0 [sflag:s19], $0x4000  }
0x156: {  	s29 =	sadd.s32 $0x80, s29;
	[sflag:s19] =	ssyncset.done @!p0 $0x0  }
0x157: {  	p1 =	sne.s32 s29, $0x500;
	[sflag:s19] =	ssyncadd.s32 @!p0 $0xFFFFC000  }
0x158: {  	[spmem:s2] =	stream.indirect.scatter.add.f32 @!p0 [tilespmem:s30], [sflag:$0x4], $0x80, s25, s14, $0xb8;
	[tilespmem:$0x1F020] =	vst v63  }
.Ltmp0:
0x159: {  	_ =	swait.ge @!p0 [sflag:s13], $0x4000;
	(pc) =	sbr.rel @p1 .LBB2_2-.Ltmp0, $4  }
0x15a: {  	[sflag:s13] =	ssyncset.done @!p0 $0x0  }
0x15b: {  	[sflag:s13] =	ssyncadd.s32 @!p0 $0xFFFFC000  }
0x15c: {  	[spmem:s3] =	stream.indirect.scatter.add.f32 @!p0 [tilespmem:s12], [sflag:$0x3], $0x10, s25, s14, $0xb8;
	[tilespmem:$0x1F020] =	vst v63  }
0x15d: {  	_ =	swait.ge @!p0 [sflag:s0], $0x800  }
0x15e: {  	[sflag:s0] =	ssyncset.done @!p0 $0x0  }
0x15f: {  	[sflag:s0] =	ssyncadd.s32 @!p0 $0xFFFFF800  }
0x160: {  	_ =	swait.ge [sflag:s28], $0x4000  }
0x161: {  	[sflag:s28] =	ssyncset.done $0x0  }
0x162: {  	[sflag:s28] =	ssyncadd.s32 $0xFFFFC000  }
0x163: {  	[bflag:$0x0] =	sbarrier.arrive $0xFFFF  }
0x164: {  	s25 =	rddreg [dreg:$0x13]  }
0x165: {  	s7 =	rddreg [dreg:$0x1a]  }
0x166: {  	s6 =	simm.s32 $0x3;
	s4 =	rddreg [dreg:$0x1b]  }
0x167: {  	[hbm:s25], [sflag:s7] =	dma.local [spmem:s4], $0x2720  }
0x168: {  	_ =	swait.ge [sflag:s6], $0x2720  }
0x169: {  	[sflag:s6] =	ssyncset.done $0x0;
	s0 =	rddreg [dreg:$0x14]  }
0x16a: {  	s4 =	rddreg [dreg:$0x18];
	[sflag:s6] =	ssyncadd.s32 $0xFFFFD8E0  }
0x16b: {  	[hbm:s0], [sflag:s7] =	dma.local @!p0 [spmem:s4], $0x4E4  }
0x16c: {  	s0 =	simm.s32 @!p0 $0x3  }
0x16d: {  	_ =	swait.ge @!p0 [sflag:s0], $0x4E4  }
0x16e: {  	s29 =	rddreg [dreg:$0x19]  }
0x16f: {  	s30 =	rddreg [dreg:$0x15];
	s7 =	sadd.s32 $0x1, s29  }
0x170: {  	p1 =	sne.s32 s7, s30  }
.Ltmp1:
0x171: {  	_ = 	snop;
	(pc) =	sbr.rel @p1 .LBB2_1-.Ltmp1, $3  }
0x172: {  	_ =	sdelay $0x1  }
0x173: {  	[sflag:s0] =	ssyncset.done @!p0 $0x0  }
0x174: {  	s25 =	simm.s32 $0x600;
	[sflag:s0] =	ssyncadd.s32 @!p0 $0xFFFFFB1C  }
0x175: {  	_ =	sfence.sel $0x180000  }
0x176: {  	[bflag:$0x0] =	sbarrier.arrive $0xFFFF  }
0x177: {  	_ =	strace $0x90000047  }
0x178: {  	s0 =	stileid.u32;
	[bflag:$0x2] =	sbarrier.arrive $0xFFFF  }
0x179: {  	p0 =	sne.s32 s0, $0x0;
	s0 =	rddreg [dreg:$0x4]  }
0x17a: {  	s0 =	sadd.s32 @!p0 $0x100000, s0  }
0x17b: {  	[sflag:s0] =	ssyncadd.tile.s32 @!p0 $0x1;
	_ =	shalt  }
.Lfunc_end2:
_tile_overlayer_lowered:
.L_overlay_start_2:
0x17c: {  	(tag) =	ssettag $0x2  }
0x17d: {  	s0 =	rddreg [dreg:$0x0];
	s2 =	stileid.u32  }
0x17e: {  	s1 =	rddreg [dreg:$0x1];
	p0 =	sne.s32 s2, $0x0  }
0x17f: {  	s3 =	rddreg [dreg:$0x2];
	[bflag:$0x3] =	sbarrier.arrive $0xFFFF;
	s2 =	simm.s32 @!p0 $0x1C03  }
0x180: {  	[timem:s3], [sflag:s2] =	dma.local @!p0 [hbm:s0], s1  }
0x181: {  	s0 =	simm.s32 @!p0 $0x3  }
0x182: {  	_ =	swait.ge @!p0 [sflag:s0], s1  }
0x183: {  	s1 =	ssub.s32 @!p0 $0x0, s1;
	[sflag:s0] =	ssyncset.done @!p0 $0x0  }
0x184: {  	[sflag:s0] =	ssyncadd.s32 @!p0 s1  }
0x185: {  	[bflag:$0x3] =	sbarrier.arrive $0xFFFF  }
0x186: {  	_ =	shalt  }

</sc_bundles>
